<compile_context>
chip_gen: v7x
topology: tpu7x:2x2x1
jax: 0.10.2.dev20260603
libtpu: 0.0.44.dev20260713+nightly
codegen_flags: <defaults>
</compile_context>

<pallas_src>
import functools

import jax
import jax.numpy as jnp
from jax import lax
from jax.experimental import pallas as pl
from jax.experimental.pallas import tpu as pltpu
from jax.experimental.pallas import tpu_sc as plsc

_MASK_VAL = -1e30
_LANE = 16


def _embed_mean_sc(X, word_emb, emoji_emb):
    B, S = X.shape
    _, D = word_emb.shape
    SP = 64
    X_flat = jnp.pad(X, ((0, 0), (0, SP - S))).reshape(-1)
    info = plsc.get_sparse_core_info()
    NC, NS = info.num_cores, info.num_subcores
    NW = NC * NS
    bpw = B // NW
    NK = bpw // 2
    nsl = D // _LANE
    mesh = plsc.VectorSubcoreMesh(core_axis_name="c", subcore_axis_name="s")

    @functools.partial(
        pl.kernel,
        out_type=jax.ShapeDtypeStruct((B, D), jnp.float32),
        mesh=mesh,
        scratch_types=[
            pltpu.VMEM((bpw * SP,), jnp.int32),
            pltpu.VMEM((S, D), jnp.float32),
            pltpu.VMEM((S, D), jnp.float32),
            pltpu.VMEM((2, D), jnp.float32),
            pltpu.VMEM((bpw, D), jnp.float32),
            pltpu.SemaphoreType.DMA,
            pltpu.SemaphoreType.DMA,
        ],
    )
    def sc_kernel(x_hbm, wemb_hbm, emoji_hbm, out_hbm,
                  idx_v, st0, st1, em_v, out_v, sem0, sem1):
        wid = lax.axis_index("s") * NC + lax.axis_index("c")
        base = wid * bpw
        pltpu.sync_copy(x_hbm.at[pl.ds(base * SP, bpw * SP)], idx_v)
        pltpu.sync_copy(emoji_hbm, em_v)
        em = [em_v[0, pl.ds(_LANE * c, _LANE)] for c in range(nsl)]
        inv = jnp.float32(1.0 / S)

        def idx_slice(i):
            return idx_v.at[pl.ds(pl.multiple_of(i * SP, 8), S)]

        def gather(i, st, sem):
            pltpu.async_copy(wemb_hbm.at[idx_slice(i)], st, sem)

        def wait(st, sem):
            pltpu.make_async_copy(wemb_hbm.at[idx_slice(0)], st, sem).wait()

        def accum(st):
            def body(r, acc):
                return tuple(acc[c] + st[r, pl.ds(_LANE * c, _LANE)]
                             for c in range(nsl))
            zero = tuple(jnp.zeros((_LANE,), jnp.float32) for _ in range(nsl))
            return lax.fori_loop(0, S, body, zero)

        gather(0, st0, sem0)
        gather(1, st1, sem1)

        def kbody(k, carry):
            wait(st0, sem0)
            acc0 = accum(st0)

            @pl.when(k < NK - 1)
            def _():
                gather(2 * k + 2, st0, sem0)

            for c in range(nsl):
                out_v[2 * k, pl.ds(_LANE * c, _LANE)] = acc0[c] * inv + em[c]

            wait(st1, sem1)
            acc1 = accum(st1)

            @pl.when(k < NK - 1)
            def _():
                gather(2 * k + 3, st1, sem1)

            for c in range(nsl):
                out_v[2 * k + 1, pl.ds(_LANE * c, _LANE)] = acc1[c] * inv + em[c]
            return carry

        lax.fori_loop(0, NK, kbody, 0)
        pltpu.sync_copy(out_v, out_hbm.at[pl.ds(base, bpw), :])

    return sc_kernel(X_flat, word_emb, emoji_emb)


def _softmax_stats(x, W, b2, TN):
    B, D = x.shape
    OUTD = W.shape[0]
    NT = pl.cdiv(OUTD, TN)

    def p1(x_ref, w_ref, b_ref, m_ref, s_ref, m_acc, s_acc):
        nt = pl.program_id(0)
        logits = lax.dot_general(
            x_ref[...].astype(jnp.bfloat16), w_ref[...].astype(jnp.bfloat16),
            (((1,), (1,)), ((), ())),
            preferred_element_type=jnp.float32) + b_ref[...]

        @pl.when(nt == 0)
        def _():
            m_acc[...] = jnp.full((B, 1), _MASK_VAL, jnp.float32)
            s_acc[...] = jnp.zeros((B, 1), jnp.float32)

        def upd(lg):
            tmax = jnp.max(lg, axis=1, keepdims=True)
            m_old = m_acc[...]
            m_new = jnp.maximum(m_old, tmax)
            s_acc[...] = (s_acc[...] * jnp.exp(m_old - m_new)
                          + jnp.sum(jnp.exp(lg - m_new), axis=1, keepdims=True))
            m_acc[...] = m_new

        @pl.when(nt < NT - 1)
        def _():
            upd(logits)

        @pl.when(nt == NT - 1)
        def _():
            col = nt * TN + lax.broadcasted_iota(jnp.int32, (1, TN), 1)
            upd(jnp.where(col < OUTD, logits, _MASK_VAL))
            m_ref[...] = m_acc[...]
            s_ref[...] = s_acc[...]

    return pl.pallas_call(
        p1,
        grid=(NT,),
        in_specs=[
            pl.BlockSpec((B, D), lambda nt: (0, 0)),
            pl.BlockSpec((TN, D), lambda nt: (nt, 0)),
            pl.BlockSpec((1, TN), lambda nt: (0, nt)),
        ],
        out_specs=[
            pl.BlockSpec((B, 1), lambda nt: (0, 0)),
            pl.BlockSpec((B, 1), lambda nt: (0, 0)),
        ],
        out_shape=[
            jax.ShapeDtypeStruct((B, 1), jnp.float32),
            jax.ShapeDtypeStruct((B, 1), jnp.float32),
        ],
        scratch_shapes=[
            pltpu.VMEM((B, 1), jnp.float32),
            pltpu.VMEM((B, 1), jnp.float32),
        ],
    )(x, W, b2)


def _softmax_write(x, W, b2, m, s, TN):
    B, D = x.shape
    OUTD = W.shape[0]
    NT = pl.cdiv(OUTD, TN)

    def p2(x_ref, w_ref, b_ref, m_ref, s_ref, o_ref):
        logits = lax.dot_general(
            x_ref[...].astype(jnp.bfloat16), w_ref[...].astype(jnp.bfloat16),
            (((1,), (1,)), ((), ())),
            preferred_element_type=jnp.float32) + b_ref[...]
        o_ref[...] = jnp.exp(logits - m_ref[...]) * (1.0 / s_ref[...])

    return pl.pallas_call(
        p2,
        grid=(NT,),
        in_specs=[
            pl.BlockSpec((B, D), lambda nt: (0, 0)),
            pl.BlockSpec((TN, D), lambda nt: (nt, 0)),
            pl.BlockSpec((1, TN), lambda nt: (0, nt)),
            pl.BlockSpec((B, 1), lambda nt: (0, 0)),
            pl.BlockSpec((B, 1), lambda nt: (0, 0)),
        ],
        out_specs=pl.BlockSpec((B, TN), lambda nt: (0, nt)),
        out_shape=jax.ShapeDtypeStruct((B, OUTD), jnp.float32),
    )(x, W, b2, m, s)


def kernel(X, word_emb, emoji_emb, W, b):
    x = _embed_mean_sc(X, word_emb, emoji_emb)
    b2 = b.reshape(1, -1)
    m, s = _softmax_stats(x, W, b2, 1024)
    return s

# --- scband reference (transcript-rebuilt; emitter-appended) ---
"""Pipeline reference for scband-ngram-34437047779605 (READ-ONLY COPY).

The authoritative reference and input builder live on the scoring server;
editing this copy changes nothing except your own understanding.
"""

import jax, jax.numpy as jnp
import numpy as np

WORD_LEN = 100000
EMOJI_LEN = 2
EMB_DIM = 128
OUT_DIM = WORD_LEN + EMOJI_LEN - 1
BATCH = 1024
SEQ = 50


def setup_inputs(seed: int = 0) -> dict:
    key = jax.random.key(seed)
    k1, k2, k3, k4 = jax.random.split(key, 4)
    X = jax.random.randint(k1, (BATCH, SEQ), 0, WORD_LEN, dtype=jnp.int32)
    # word embedding table: nn.Embedding default init N(0,1), row 0 zeroed
    word_emb = jax.random.normal(k2, (WORD_LEN, EMB_DIM), dtype=jnp.float32)
    word_emb = word_emb.at[0].set(0.0)
    # emoji embeddings passed as pretrained zeros; last row additionally zeroed (no-op)
    emoji_emb = jnp.zeros((EMOJI_LEN, EMB_DIM), dtype=jnp.float32)
    # learning_layer: nn.Linear(EMB_DIM, OUT_DIM) with default uniform init
    bound = 1.0 / np.sqrt(EMB_DIM)
    W = jax.random.uniform(k3, (OUT_DIM, EMB_DIM), minval=-bound, maxval=bound, dtype=jnp.float32)
    b = jax.random.uniform(k4, (OUT_DIM,), minval=-bound, maxval=bound, dtype=jnp.float32)
    return {"X": X, "word_emb": word_emb, "emoji_emb": emoji_emb, "W": W, "b": b}


def reference(X, word_emb, emoji_emb, W, b):
    zeros = jnp.zeros_like(X)
    zeroed_out_emojis = jnp.where(X < 0, zeros, X)
    zeroed_out_words = jnp.where(X < 0, -X, zeros)
    words = jnp.take(word_emb, zeroed_out_emojis, axis=0)
    emojis = jnp.take(emoji_emb, zeroed_out_words, axis=0)
    embedded = emojis + words
    out1 = jnp.mean(embedded, axis=1)
    logits = out1 @ W.T + b
    out2 = jax.nn.softmax(logits, axis=1)
    return out2

if __name__ == "__main__":
    import jax
    _d = setup_inputs()
    print(jax.jit(kernel)(*tuple(_d.values())))

</pallas_src>

<mosaic_0001>
#map = affine_map<(d0, d1) -> (0)>
#map1 = affine_map<(d0, d1) -> (0, 0)>
module attributes {stable_mosaic.version = 14 : i64} {
  func.func @sc_kernel(%arg0: i32, %arg1: i32, %arg2: memref<65536xi32, #tpu.memory_space<hbm>>, %arg3: memref<100000x128xf32, #tpu.memory_space<hbm>>, %arg4: memref<2x128xf32, #tpu.memory_space<hbm>>, %arg5: memref<1024x128xf32, #tpu.memory_space<hbm>>, %arg6: memref<2048xi32, #tpu.memory_space<vmem>>, %arg7: memref<50x128xf32, #tpu.memory_space<vmem>>, %arg8: memref<50x128xf32, #tpu.memory_space<vmem>>, %arg9: memref<2x128xf32, #tpu.memory_space<vmem>>, %arg10: memref<32x128xf32, #tpu.memory_space<vmem>>, %arg11: memref<!tpu.dma_semaphore, #tpu.memory_space<semaphore_mem>>, %arg12: memref<!tpu.dma_semaphore, #tpu.memory_space<semaphore_mem>>) attributes {dimension_semantics = [#tpu.dimension_semantics<core_parallel>, #tpu.dimension_semantics<subcore_parallel>], iteration_bounds = array<i64: 2, 16>, scalar_prefetch = 0 : i64, scratch_operands = 7 : i64, tpu.core_type = #tpu.core_type<sc_vector_subcore>, window_params = [{transform_indices = #map}, {transform_indices = #map1}, {transform_indices = #map1}, {transform_indices = #map1}]} {
    %mul3A = arith.constant 2 : i32
    %mul3A_0 = arith.muli %arg1, %mul3A : i32
    %add3A = arith.addi %mul3A_0, %arg0 : i32
    %mul3A_1 = arith.constant 32 : i32
    %mul3A_2 = arith.muli %add3A, %mul3A_1 : i32
    %mul3A_3 = arith.constant 64 : i32
    %mul3A_4 = arith.muli %mul3A_2, %mul3A_3 : i32
    "tpu.region"() ({
      %run_scoped3A = tpu.sem_alloc : memref<!tpu.dma_semaphore, #tpu.memory_space<semaphore_mem>>
      %dma_start3A_60 = tpu.memref_slice %arg2[%mul3A_4] : memref<65536xi32, #tpu.memory_space<hbm>> -> memref<2048xi32, #tpu.memory_space<hbm>>
      %dma_start3A_61 = tpu.memref_slice %arg2[%mul3A_4] : memref<65536xi32, #tpu.memory_space<hbm>> -> memref<2048xi32, #tpu.memory_space<hbm>>
      tpu.enqueue_dma source(%dma_start3A_61 : memref<2048xi32, #tpu.memory_space<hbm>>) target(%arg6 : memref<2048xi32, #tpu.memory_space<vmem>>) target_semaphore(%run_scoped3A : memref<!tpu.dma_semaphore, #tpu.memory_space<semaphore_mem>>)
      %dma_wait3A = tpu.memref_slice %arg2[%mul3A_4] : memref<65536xi32, #tpu.memory_space<hbm>> -> memref<2048xi32, #tpu.memory_space<hbm>>
      %dma_wait3A_62 = tpu.memref_slice %arg2[%mul3A_4] : memref<65536xi32, #tpu.memory_space<hbm>> -> memref<2048xi32, #tpu.memory_space<hbm>>
      tpu.wait_dma2 semaphore(%run_scoped3A : memref<!tpu.dma_semaphore, #tpu.memory_space<semaphore_mem>>) src(%dma_wait3A_62 : memref<2048xi32, #tpu.memory_space<hbm>>) dst(%arg6 : memref<2048xi32, #tpu.memory_space<vmem>>)
      tpu.yield
    }) : () -> ()
    "tpu.region"() ({
      %run_scoped3A = tpu.sem_alloc : memref<!tpu.dma_semaphore, #tpu.memory_space<semaphore_mem>>
      tpu.enqueue_dma source(%arg4 : memref<2x128xf32, #tpu.memory_space<hbm>>) target(%arg9 : memref<2x128xf32, #tpu.memory_space<vmem>>) target_semaphore(%run_scoped3A : memref<!tpu.dma_semaphore, #tpu.memory_space<semaphore_mem>>)
      tpu.wait_dma2 semaphore(%run_scoped3A : memref<!tpu.dma_semaphore, #tpu.memory_space<semaphore_mem>>) src(%arg4 : memref<2x128xf32, #tpu.memory_space<hbm>>) dst(%arg9 : memref<2x128xf32, #tpu.memory_space<vmem>>)
      tpu.yield
    }) : () -> ()
    %get3A = arith.constant 0 : i32
    %get3A_5 = arith.index_cast %get3A : i32 to index
    %get3A_6 = arith.constant 0 : index
    %get3A_7 = tpu.vector_load %arg9[%get3A_5, %get3A_6] {strides = array<i32>} : memref<2x128xf32, #tpu.memory_space<vmem>>, vector<1x16xf32>,
    %get3A_8 = vector.shape_cast %get3A_7 : vector<1x16xf32> to vector<16xf32>
    %get3A_9 = arith.constant 0 : i32
    %get3A_10 = arith.index_cast %get3A_9 : i32 to index
    %get3A_11 = arith.constant 16 : index
    %get3A_12 = tpu.vector_load %arg9[%get3A_10, %get3A_11] {strides = array<i32>} : memref<2x128xf32, #tpu.memory_space<vmem>>, vector<1x16xf32>,
    %get3A_13 = vector.shape_cast %get3A_12 : vector<1x16xf32> to vector<16xf32>
    %get3A_14 = arith.constant 0 : i32
    %get3A_15 = arith.index_cast %get3A_14 : i32 to index
    %get3A_16 = arith.constant 32 : index
    %get3A_17 = tpu.vector_load %arg9[%get3A_15, %get3A_16] {strides = array<i32>} : memref<2x128xf32, #tpu.memory_space<vmem>>, vector<1x16xf32>,
    %get3A_18 = vector.shape_cast %get3A_17 : vector<1x16xf32> to vector<16xf32>
    %get3A_19 = arith.constant 0 : i32
    %get3A_20 = arith.index_cast %get3A_19 : i32 to index
    %get3A_21 = arith.constant 48 : index
    %get3A_22 = tpu.vector_load %arg9[%get3A_20, %get3A_21] {strides = array<i32>} : memref<2x128xf32, #tpu.memory_space<vmem>>, vector<1x16xf32>,
    %get3A_23 = vector.shape_cast %get3A_22 : vector<1x16xf32> to vector<16xf32>
    %get3A_24 = arith.constant 0 : i32
    %get3A_25 = arith.index_cast %get3A_24 : i32 to index
    %get3A_26 = arith.constant 64 : index
    %get3A_27 = tpu.vector_load %arg9[%get3A_25, %get3A_26] {strides = array<i32>} : memref<2x128xf32, #tpu.memory_space<vmem>>, vector<1x16xf32>,
    %get3A_28 = vector.shape_cast %get3A_27 : vector<1x16xf32> to vector<16xf32>
    %get3A_29 = arith.constant 0 : i32
    %get3A_30 = arith.index_cast %get3A_29 : i32 to index
    %get3A_31 = arith.constant 80 : index
    %get3A_32 = tpu.vector_load %arg9[%get3A_30, %get3A_31] {strides = array<i32>} : memref<2x128xf32, #tpu.memory_space<vmem>>, vector<1x16xf32>,
    %get3A_33 = vector.shape_cast %get3A_32 : vector<1x16xf32> to vector<16xf32>
    %get3A_34 = arith.constant 0 : i32
    %get3A_35 = arith.index_cast %get3A_34 : i32 to index
    %get3A_36 = arith.constant 96 : index
    %get3A_37 = tpu.vector_load %arg9[%get3A_35, %get3A_36] {strides = array<i32>} : memref<2x128xf32, #tpu.memory_space<vmem>>, vector<1x16xf32>,
    %get3A_38 = vector.shape_cast %get3A_37 : vector<1x16xf32> to vector<16xf32>
    %get3A_39 = arith.constant 0 : i32
    %get3A_40 = arith.index_cast %get3A_39 : i32 to index
    %get3A_41 = arith.constant 112 : index
    %get3A_42 = tpu.vector_load %arg9[%get3A_40, %get3A_41] {strides = array<i32>} : memref<2x128xf32, #tpu.memory_space<vmem>>, vector<1x16xf32>,
    %get3A_43 = vector.shape_cast %get3A_42 : vector<1x16xf32> to vector<16xf32>
    %multiple_of3A = arith.constant 0 : i32
    %multiple_of3A_44 = tpu.assume_multiple %multiple_of3A, 8 : i32
    %dma_start3A = tpu.memref_slice %arg6[%multiple_of3A_44] : memref<2048xi32, #tpu.memory_space<vmem>> -> memref<50xi32, #tpu.memory_space<vmem>>
    %dma_start3A_45 = arith.constant 0 : i32
    %dma_start3A_46 = arith.constant 0 : i32
    %dma_start3A_47 = tpu.memref_slice %arg3[%dma_start3A_45, %dma_start3A_46] : memref<100000x128xf32, #tpu.memory_space<hbm>> -> memref<100000x128xf32, #tpu.memory_space<hbm>>
    tpu.enqueue_indirect_dma source(%dma_start3A_47 : memref<100000x128xf32, #tpu.memory_space<hbm>>) target(%arg7 : memref<50x128xf32, #tpu.memory_space<vmem>>) offsets(%dma_start3A : memref<50xi32, #tpu.memory_space<vmem>>) semaphore(%arg11 : memref<!tpu.dma_semaphore, #tpu.memory_space<semaphore_mem>>)
    %multiple_of3A_48 = arith.constant 64 : i32
    %multiple_of3A_49 = tpu.assume_multiple %multiple_of3A_48, 8 : i32
    %dma_start3A_50 = tpu.memref_slice %arg6[%multiple_of3A_49] : memref<2048xi32, #tpu.memory_space<vmem>> -> memref<50xi32, #tpu.memory_space<vmem>>
    %dma_start3A_51 = arith.constant 0 : i32
    %dma_start3A_52 = arith.constant 0 : i32
    %dma_start3A_53 = tpu.memref_slice %arg3[%dma_start3A_51, %dma_start3A_52] : memref<100000x128xf32, #tpu.memory_space<hbm>> -> memref<100000x128xf32, #tpu.memory_space<hbm>>
    tpu.enqueue_indirect_dma source(%dma_start3A_53 : memref<100000x128xf32, #tpu.memory_space<hbm>>) target(%arg8 : memref<50x128xf32, #tpu.memory_space<vmem>>) offsets(%dma_start3A_50 : memref<50xi32, #tpu.memory_space<vmem>>) semaphore(%arg12 : memref<!tpu.dma_semaphore, #tpu.memory_space<semaphore_mem>>)
    %scan3A = arith.constant 0 : i32
    %scan3A_54 = arith.constant 2.000000e-02 : f32
    %scan3A_55 = arith.constant 0 : i32
    %scan3A_56 = arith.constant 16 : i32
    %scan3A_57 = arith.addi %scan3A_55, %scan3A_56 : i32
    %scan3A_58 = arith.constant 1 : i32
    scf.for %scan3A_60 = %scan3A_55 to %scan3A_57 step %scan3A_58  : i32 {
      %multiple_of3A_61 = arith.constant 0 : i32
      %multiple_of3A_62 = tpu.assume_multiple %multiple_of3A_61, 8 : i32
      %dma_wait3A = tpu.memref_slice %arg6[%multiple_of3A_62] : memref<2048xi32, #tpu.memory_space<vmem>> -> memref<50xi32, #tpu.memory_space<vmem>>
      %dma_wait3A_63 = arith.constant 0 : i32
      %dma_wait3A_64 = arith.constant 0 : i32
      %dma_wait3A_65 = tpu.memref_slice %arg3[%dma_wait3A_63, %dma_wait3A_64] : memref<100000x128xf32, #tpu.memory_space<hbm>> -> memref<100000x128xf32, #tpu.memory_space<hbm>>
      tpu.wait_indirect_dma semaphore(%arg11 : memref<!tpu.dma_semaphore, #tpu.memory_space<semaphore_mem>>) src(%dma_wait3A_65 : memref<100000x128xf32, #tpu.memory_space<hbm>>) dst(%arg7 : memref<50x128xf32, #tpu.memory_space<vmem>>)
      %broadcast_in_dim3A = arith.constant 0.000000e+00 : f32
      %broadcast_in_dim3A_66 = vector.broadcast %broadcast_in_dim3A : f32 to vector<16xf32>
      %broadcast_in_dim3A_67 = arith.constant 0.000000e+00 : f32
      %broadcast_in_dim3A_68 = vector.broadcast %broadcast_in_dim3A_67 : f32 to vector<16xf32>
      %broadcast_in_dim3A_69 = arith.constant 0.000000e+00 : f32
      %broadcast_in_dim3A_70 = vector.broadcast %broadcast_in_dim3A_69 : f32 to vector<16xf32>
      %broadcast_in_dim3A_71 = arith.constant 0.000000e+00 : f32
      %broadcast_in_dim3A_72 = vector.broadcast %broadcast_in_dim3A_71 : f32 to vector<16xf32>
      %broadcast_in_dim3A_73 = arith.constant 0.000000e+00 : f32
      %broadcast_in_dim3A_74 = vector.broadcast %broadcast_in_dim3A_73 : f32 to vector<16xf32>
      %broadcast_in_dim3A_75 = arith.constant 0.000000e+00 : f32
      %broadcast_in_dim3A_76 = vector.broadcast %broadcast_in_dim3A_75 : f32 to vector<16xf32>
      %broadcast_in_dim3A_77 = arith.constant 0.000000e+00 : f32
      %broadcast_in_dim3A_78 = vector.broadcast %broadcast_in_dim3A_77 : f32 to vector<16xf32>
      %broadcast_in_dim3A_79 = arith.constant 0.000000e+00 : f32
      %broadcast_in_dim3A_80 = vector.broadcast %broadcast_in_dim3A_79 : f32 to vector<16xf32>
      %scan3A_81 = arith.constant 0 : i32
      %scan3A_82 = arith.constant 50 : i32
      %scan3A_83 = arith.addi %scan3A_81, %scan3A_82 : i32
      %scan3A_84 = arith.constant 1 : i32
      %scan3A_85:8 = scf.for %scan3A_297 = %scan3A_81 to %scan3A_83 step %scan3A_84 iter_args(%scan3A_298 = %broadcast_in_dim3A_66, %scan3A_299 = %broadcast_in_dim3A_68, %scan3A_300 = %broadcast_in_dim3A_70, %scan3A_301 = %broadcast_in_dim3A_72, %scan3A_302 = %broadcast_in_dim3A_74, %scan3A_303 = %broadcast_in_dim3A_76, %scan3A_304 = %broadcast_in_dim3A_78, %scan3A_305 = %broadcast_in_dim3A_80) -> (vector<16xf32>, vector<16xf32>, vector<16xf32>, vector<16xf32>, vector<16xf32>, vector<16xf32>, vector<16xf32>, vector<16xf32>)  : i32 {
        %get3A_306 = arith.index_cast %scan3A_297 : i32 to index
        %get3A_307 = arith.constant 0 : index
        %get3A_308 = tpu.vector_load %arg7[%get3A_306, %get3A_307] {strides = array<i32>} : memref<50x128xf32, #tpu.memory_space<vmem>>, vector<1x16xf32>,
        %get3A_309 = vector.shape_cast %get3A_308 : vector<1x16xf32> to vector<16xf32>
        %add3A_310 = arith.addf %scan3A_298, %get3A_309 : vector<16xf32>
        %get3A_311 = arith.index_cast %scan3A_297 : i32 to index
        %get3A_312 = arith.constant 16 : index
        %get3A_313 = tpu.vector_load %arg7[%get3A_311, %get3A_312] {strides = array<i32>} : memref<50x128xf32, #tpu.memory_space<vmem>>, vector<1x16xf32>,
        %get3A_314 = vector.shape_cast %get3A_313 : vector<1x16xf32> to vector<16xf32>
        %add3A_315 = arith.addf %scan3A_299, %get3A_314 : vector<16xf32>
        %get3A_316 = arith.index_cast %scan3A_297 : i32 to index
        %get3A_317 = arith.constant 32 : index
        %get3A_318 = tpu.vector_load %arg7[%get3A_316, %get3A_317] {strides = array<i32>} : memref<50x128xf32, #tpu.memory_space<vmem>>, vector<1x16xf32>,
        %get3A_319 = vector.shape_cast %get3A_318 : vector<1x16xf32> to vector<16xf32>
        %add3A_320 = arith.addf %scan3A_300, %get3A_319 : vector<16xf32>
        %get3A_321 = arith.index_cast %scan3A_297 : i32 to index
        %get3A_322 = arith.constant 48 : index
        %get3A_323 = tpu.vector_load %arg7[%get3A_321, %get3A_322] {strides = array<i32>} : memref<50x128xf32, #tpu.memory_space<vmem>>, vector<1x16xf32>,
        %get3A_324 = vector.shape_cast %get3A_323 : vector<1x16xf32> to vector<16xf32>
        %add3A_325 = arith.addf %scan3A_301, %get3A_324 : vector<16xf32>
        %get3A_326 = arith.index_cast %scan3A_297 : i32 to index
        %get3A_327 = arith.constant 64 : index
        %get3A_328 = tpu.vector_load %arg7[%get3A_326, %get3A_327] {strides = array<i32>} : memref<50x128xf32, #tpu.memory_space<vmem>>, vector<1x16xf32>,
        %get3A_329 = vector.shape_cast %get3A_328 : vector<1x16xf32> to vector<16xf32>
        %add3A_330 = arith.addf %scan3A_302, %get3A_329 : vector<16xf32>
        %get3A_331 = arith.index_cast %scan3A_297 : i32 to index
        %get3A_332 = arith.constant 80 : index
        %get3A_333 = tpu.vector_load %arg7[%get3A_331, %get3A_332] {strides = array<i32>} : memref<50x128xf32, #tpu.memory_space<vmem>>, vector<1x16xf32>,
        %get3A_334 = vector.shape_cast %get3A_333 : vector<1x16xf32> to vector<16xf32>
        %add3A_335 = arith.addf %scan3A_303, %get3A_334 : vector<16xf32>
        %get3A_336 = arith.index_cast %scan3A_297 : i32 to index
        %get3A_337 = arith.constant 96 : index
        %get3A_338 = tpu.vector_load %arg7[%get3A_336, %get3A_337] {strides = array<i32>} : memref<50x128xf32, #tpu.memory_space<vmem>>, vector<1x16xf32>,
        %get3A_339 = vector.shape_cast %get3A_338 : vector<1x16xf32> to vector<16xf32>
        %add3A_340 = arith.addf %scan3A_304, %get3A_339 : vector<16xf32>
        %get3A_341 = arith.index_cast %scan3A_297 : i32 to index
        %get3A_342 = arith.constant 112 : index
        %get3A_343 = tpu.vector_load %arg7[%get3A_341, %get3A_342] {strides = array<i32>} : memref<50x128xf32, #tpu.memory_space<vmem>>, vector<1x16xf32>,
        %get3A_344 = vector.shape_cast %get3A_343 : vector<1x16xf32> to vector<16xf32>
        %add3A_345 = arith.addf %scan3A_305, %get3A_344 : vector<16xf32>
        scf.yield %add3A_310, %add3A_315, %add3A_320, %add3A_325, %add3A_330, %add3A_335, %add3A_340, %add3A_345 : vector<16xf32>, vector<16xf32>, vector<16xf32>, vector<16xf32>, vector<16xf32>, vector<16xf32>, vector<16xf32>, vector<16xf32>
      }
      %scan3A_86 = arith.constant 50 : i32
      %lt3A = arith.constant 15 : i32
      %lt3A_87 = arith.cmpi slt, %scan3A_60, %lt3A : i32
      %convert_element_type3A = arith.extui %lt3A_87 : i1 to i32
      %cond3A = arith.constant 0 : i32
      %cond3A_88 = arith.cmpi ne, %convert_element_type3A, %cond3A : i32
      scf.if %cond3A_88 {
        %mul3A_297 = arith.constant 2 : i32
        %mul3A_298 = arith.muli %mul3A_297, %scan3A_60 : i32
        %add3A_299 = arith.constant 2 : i32
        %add3A_300 = arith.addi %mul3A_298, %add3A_299 : i32
        %mul3A_301 = arith.constant 64 : i32
        %mul3A_302 = arith.muli %add3A_300, %mul3A_301 : i32
        %multiple_of3A_303 = tpu.assume_multiple %mul3A_302, 8 : i32
        %dma_start3A_304 = tpu.memref_slice %arg6[%multiple_of3A_303] : memref<2048xi32, #tpu.memory_space<vmem>> -> memref<50xi32, #tpu.memory_space<vmem>>
        %dma_start3A_305 = arith.constant 0 : i32
        %dma_start3A_306 = arith.constant 0 : i32
        %dma_start3A_307 = tpu.memref_slice %arg3[%dma_start3A_305, %dma_start3A_306] : memref<100000x128xf32, #tpu.memory_space<hbm>> -> memref<100000x128xf32, #tpu.memory_space<hbm>>
        tpu.enqueue_indirect_dma source(%dma_start3A_307 : memref<100000x128xf32, #tpu.memory_space<hbm>>) target(%arg7 : memref<50x128xf32, #tpu.memory_space<vmem>>) offsets(%dma_start3A_304 : memref<50xi32, #tpu.memory_space<vmem>>) semaphore(%arg11 : memref<!tpu.dma_semaphore, #tpu.memory_space<semaphore_mem>>)
      } else {
      }
      %mul3A_89 = vector.broadcast %scan3A_54 : f32 to vector<16xf32>
      %mul3A_90 = arith.mulf %scan3A_85#0, %mul3A_89 : vector<16xf32>
      %add3A_91 = arith.addf %mul3A_90, %get3A_8 : vector<16xf32>
      %mul3A_92 = arith.constant 2 : i32
      %mul3A_93 = arith.muli %mul3A_92, %scan3A_60 : i32
      %swap3A = arith.index_cast %mul3A_93 : i32 to index
      %swap3A_94 = arith.constant 0 : index
      %swap3A_95 = tpu.vector_load %arg10[%swap3A, %swap3A_94] {strides = array<i32>} : memref<32x128xf32, #tpu.memory_space<vmem>>, vector<1x16xf32>,
      %swap3A_96 = vector.shape_cast %swap3A_95 : vector<1x16xf32> to vector<16xf32>
      %swap3A_97 = vector.shape_cast %add3A_91 : vector<16xf32> to vector<1x16xf32>
      tpu.vector_store %arg10[%swap3A, %swap3A_94], %swap3A_97 {strides = array<i32>} : memref<32x128xf32, #tpu.memory_space<vmem>>, vector<1x16xf32>,
      %mul3A_98 = vector.broadcast %scan3A_54 : f32 to vector<16xf32>
      %mul3A_99 = arith.mulf %scan3A_85#1, %mul3A_98 : vector<16xf32>
      %add3A_100 = arith.addf %mul3A_99, %get3A_13 : vector<16xf32>
      %mul3A_101 = arith.constant 2 : i32
      %mul3A_102 = arith.muli %mul3A_101, %scan3A_60 : i32
      %swap3A_103 = arith.index_cast %mul3A_102 : i32 to index
      %swap3A_104 = arith.constant 16 : index
      %swap3A_105 = tpu.vector_load %arg10[%swap3A_103, %swap3A_104] {strides = array<i32>} : memref<32x128xf32, #tpu.memory_space<vmem>>, vector<1x16xf32>,
      %swap3A_106 = vector.shape_cast %swap3A_105 : vector<1x16xf32> to vector<16xf32>
      %swap3A_107 = vector.shape_cast %add3A_100 : vector<16xf32> to vector<1x16xf32>
      tpu.vector_store %arg10[%swap3A_103, %swap3A_104], %swap3A_107 {strides = array<i32>} : memref<32x128xf32, #tpu.memory_space<vmem>>, vector<1x16xf32>,
      %mul3A_108 = vector.broadcast %scan3A_54 : f32 to vector<16xf32>
      %mul3A_109 = arith.mulf %scan3A_85#2, %mul3A_108 : vector<16xf32>
      %add3A_110 = arith.addf %mul3A_109, %get3A_18 : vector<16xf32>
      %mul3A_111 = arith.constant 2 : i32
      %mul3A_112 = arith.muli %mul3A_111, %scan3A_60 : i32
      %swap3A_113 = arith.index_cast %mul3A_112 : i32 to index
      %swap3A_114 = arith.constant 32 : index
      %swap3A_115 = tpu.vector_load %arg10[%swap3A_113, %swap3A_114] {strides = array<i32>} : memref<32x128xf32, #tpu.memory_space<vmem>>, vector<1x16xf32>,
      %swap3A_116 = vector.shape_cast %swap3A_115 : vector<1x16xf32> to vector<16xf32>
      %swap3A_117 = vector.shape_cast %add3A_110 : vector<16xf32> to vector<1x16xf32>
      tpu.vector_store %arg10[%swap3A_113, %swap3A_114], %swap3A_117 {strides = array<i32>} : memref<32x128xf32, #tpu.memory_space<vmem>>, vector<1x16xf32>,
      %mul3A_118 = vector.broadcast %scan3A_54 : f32 to vector<16xf32>
      %mul3A_119 = arith.mulf %scan3A_85#3, %mul3A_118 : vector<16xf32>
      %add3A_120 = arith.addf %mul3A_119, %get3A_23 : vector<16xf32>
      %mul3A_121 = arith.constant 2 : i32
      %mul3A_122 = arith.muli %mul3A_121, %scan3A_60 : i32
      %swap3A_123 = arith.index_cast %mul3A_122 : i32 to index
      %swap3A_124 = arith.constant 48 : index
      %swap3A_125 = tpu.vector_load %arg10[%swap3A_123, %swap3A_124] {strides = array<i32>} : memref<32x128xf32, #tpu.memory_space<vmem>>, vector<1x16xf32>,
      %swap3A_126 = vector.shape_cast %swap3A_125 : vector<1x16xf32> to vector<16xf32>
      %swap3A_127 = vector.shape_cast %add3A_120 : vector<16xf32> to vector<1x16xf32>
      tpu.vector_store %arg10[%swap3A_123, %swap3A_124], %swap3A_127 {strides = array<i32>} : memref<32x128xf32, #tpu.memory_space<vmem>>, vector<1x16xf32>,
      %mul3A_128 = vector.broadcast %scan3A_54 : f32 to vector<16xf32>
      %mul3A_129 = arith.mulf %scan3A_85#4, %mul3A_128 : vector<16xf32>
      %add3A_130 = arith.addf %mul3A_129, %get3A_28 : vector<16xf32>
      %mul3A_131 = arith.constant 2 : i32
      %mul3A_132 = arith.muli %mul3A_131, %scan3A_60 : i32
      %swap3A_133 = arith.index_cast %mul3A_132 : i32 to index
      %swap3A_134 = arith.constant 64 : index
      %swap3A_135 = tpu.vector_load %arg10[%swap3A_133, %swap3A_134] {strides = array<i32>} : memref<32x128xf32, #tpu.memory_space<vmem>>, vector<1x16xf32>,
      %swap3A_136 = vector.shape_cast %swap3A_135 : vector<1x16xf32> to vector<16xf32>
      %swap3A_137 = vector.shape_cast %add3A_130 : vector<16xf32> to vector<1x16xf32>
      tpu.vector_store %arg10[%swap3A_133, %swap3A_134], %swap3A_137 {strides = array<i32>} : memref<32x128xf32, #tpu.memory_space<vmem>>, vector<1x16xf32>,
      %mul3A_138 = vector.broadcast %scan3A_54 : f32 to vector<16xf32>
      %mul3A_139 = arith.mulf %scan3A_85#5, %mul3A_138 : vector<16xf32>
      %add3A_140 = arith.addf %mul3A_139, %get3A_33 : vector<16xf32>
      %mul3A_141 = arith.constant 2 : i32
      %mul3A_142 = arith.muli %mul3A_141, %scan3A_60 : i32
      %swap3A_143 = arith.index_cast %mul3A_142 : i32 to index
      %swap3A_144 = arith.constant 80 : index
      %swap3A_145 = tpu.vector_load %arg10[%swap3A_143, %swap3A_144] {strides = array<i32>} : memref<32x128xf32, #tpu.memory_space<vmem>>, vector<1x16xf32>,
      %swap3A_146 = vector.shape_cast %swap3A_145 : vector<1x16xf32> to vector<16xf32>
      %swap3A_147 = vector.shape_cast %add3A_140 : vector<16xf32> to vector<1x16xf32>
      tpu.vector_store %arg10[%swap3A_143, %swap3A_144], %swap3A_147 {strides = array<i32>} : memref<32x128xf32, #tpu.memory_space<vmem>>, vector<1x16xf32>,
      %mul3A_148 = vector.broadcast %scan3A_54 : f32 to vector<16xf32>
      %mul3A_149 = arith.mulf %scan3A_85#6, %mul3A_148 : vector<16xf32>
      %add3A_150 = arith.addf %mul3A_149, %get3A_38 : vector<16xf32>
      %mul3A_151 = arith.constant 2 : i32
      %mul3A_152 = arith.muli %mul3A_151, %scan3A_60 : i32
      %swap3A_153 = arith.index_cast %mul3A_152 : i32 to index
      %swap3A_154 = arith.constant 96 : index
      %swap3A_155 = tpu.vector_load %arg10[%swap3A_153, %swap3A_154] {strides = array<i32>} : memref<32x128xf32, #tpu.memory_space<vmem>>, vector<1x16xf32>,
      %swap3A_156 = vector.shape_cast %swap3A_155 : vector<1x16xf32> to vector<16xf32>
      %swap3A_157 = vector.shape_cast %add3A_150 : vector<16xf32> to vector<1x16xf32>
      tpu.vector_store %arg10[%swap3A_153, %swap3A_154], %swap3A_157 {strides = array<i32>} : memref<32x128xf32, #tpu.memory_space<vmem>>, vector<1x16xf32>,
      %mul3A_158 = vector.broadcast %scan3A_54 : f32 to vector<16xf32>
      %mul3A_159 = arith.mulf %scan3A_85#7, %mul3A_158 : vector<16xf32>
      %add3A_160 = arith.addf %mul3A_159, %get3A_43 : vector<16xf32>
      %mul3A_161 = arith.constant 2 : i32
      %mul3A_162 = arith.muli %mul3A_161, %scan3A_60 : i32
      %swap3A_163 = arith.index_cast %mul3A_162 : i32 to index
      %swap3A_164 = arith.constant 112 : index
      %swap3A_165 = tpu.vector_load %arg10[%swap3A_163, %swap3A_164] {strides = array<i32>} : memref<32x128xf32, #tpu.memory_space<vmem>>, vector<1x16xf32>,
      %swap3A_166 = vector.shape_cast %swap3A_165 : vector<1x16xf32> to vector<16xf32>
      %swap3A_167 = vector.shape_cast %add3A_160 : vector<16xf32> to vector<1x16xf32>
      tpu.vector_store %arg10[%swap3A_163, %swap3A_164], %swap3A_167 {strides = array<i32>} : memref<32x128xf32, #tpu.memory_space<vmem>>, vector<1x16xf32>,
      %multiple_of3A_168 = arith.constant 0 : i32
      %multiple_of3A_169 = tpu.assume_multiple %multiple_of3A_168, 8 : i32
      %dma_wait3A_170 = tpu.memref_slice %arg6[%multiple_of3A_169] : memref<2048xi32, #tpu.memory_space<vmem>> -> memref<50xi32, #tpu.memory_space<vmem>>
      %dma_wait3A_171 = arith.constant 0 : i32
      %dma_wait3A_172 = arith.constant 0 : i32
      %dma_wait3A_173 = tpu.memref_slice %arg3[%dma_wait3A_171, %dma_wait3A_172] : memref<100000x128xf32, #tpu.memory_space<hbm>> -> memref<100000x128xf32, #tpu.memory_space<hbm>>
      tpu.wait_indirect_dma semaphore(%arg12 : memref<!tpu.dma_semaphore, #tpu.memory_space<semaphore_mem>>) src(%dma_wait3A_173 : memref<100000x128xf32, #tpu.memory_space<hbm>>) dst(%arg8 : memref<50x128xf32, #tpu.memory_space<vmem>>)
      %broadcast_in_dim3A_174 = arith.constant 0.000000e+00 : f32
      %broadcast_in_dim3A_175 = vector.broadcast %broadcast_in_dim3A_174 : f32 to vector<16xf32>
      %broadcast_in_dim3A_176 = arith.constant 0.000000e+00 : f32
      %broadcast_in_dim3A_177 = vector.broadcast %broadcast_in_dim3A_176 : f32 to vector<16xf32>
      %broadcast_in_dim3A_178 = arith.constant 0.000000e+00 : f32
      %broadcast_in_dim3A_179 = vector.broadcast %broadcast_in_dim3A_178 : f32 to vector<16xf32>
      %broadcast_in_dim3A_180 = arith.constant 0.000000e+00 : f32
      %broadcast_in_dim3A_181 = vector.broadcast %broadcast_in_dim3A_180 : f32 to vector<16xf32>
      %broadcast_in_dim3A_182 = arith.constant 0.000000e+00 : f32
      %broadcast_in_dim3A_183 = vector.broadcast %broadcast_in_dim3A_182 : f32 to vector<16xf32>
      %broadcast_in_dim3A_184 = arith.constant 0.000000e+00 : f32
      %broadcast_in_dim3A_185 = vector.broadcast %broadcast_in_dim3A_184 : f32 to vector<16xf32>
      %broadcast_in_dim3A_186 = arith.constant 0.000000e+00 : f32
      %broadcast_in_dim3A_187 = vector.broadcast %broadcast_in_dim3A_186 : f32 to vector<16xf32>
      %broadcast_in_dim3A_188 = arith.constant 0.000000e+00 : f32
      %broadcast_in_dim3A_189 = vector.broadcast %broadcast_in_dim3A_188 : f32 to vector<16xf32>
      %scan3A_190 = arith.constant 0 : i32
      %scan3A_191 = arith.constant 50 : i32
      %scan3A_192 = arith.addi %scan3A_190, %scan3A_191 : i32
      %scan3A_193 = arith.constant 1 : i32
      %scan3A_194:8 = scf.for %scan3A_297 = %scan3A_190 to %scan3A_192 step %scan3A_193 iter_args(%scan3A_298 = %broadcast_in_dim3A_175, %scan3A_299 = %broadcast_in_dim3A_177, %scan3A_300 = %broadcast_in_dim3A_179, %scan3A_301 = %broadcast_in_dim3A_181, %scan3A_302 = %broadcast_in_dim3A_183, %scan3A_303 = %broadcast_in_dim3A_185, %scan3A_304 = %broadcast_in_dim3A_187, %scan3A_305 = %broadcast_in_dim3A_189) -> (vector<16xf32>, vector<16xf32>, vector<16xf32>, vector<16xf32>, vector<16xf32>, vector<16xf32>, vector<16xf32>, vector<16xf32>)  : i32 {
        %get3A_306 = arith.index_cast %scan3A_297 : i32 to index
        %get3A_307 = arith.constant 0 : index
        %get3A_308 = tpu.vector_load %arg8[%get3A_306, %get3A_307] {strides = array<i32>} : memref<50x128xf32, #tpu.memory_space<vmem>>, vector<1x16xf32>,
        %get3A_309 = vector.shape_cast %get3A_308 : vector<1x16xf32> to vector<16xf32>
        %add3A_310 = arith.addf %scan3A_298, %get3A_309 : vector<16xf32>
        %get3A_311 = arith.index_cast %scan3A_297 : i32 to index
        %get3A_312 = arith.constant 16 : index
        %get3A_313 = tpu.vector_load %arg8[%get3A_311, %get3A_312] {strides = array<i32>} : memref<50x128xf32, #tpu.memory_space<vmem>>, vector<1x16xf32>,
        %get3A_314 = vector.shape_cast %get3A_313 : vector<1x16xf32> to vector<16xf32>
        %add3A_315 = arith.addf %scan3A_299, %get3A_314 : vector<16xf32>
        %get3A_316 = arith.index_cast %scan3A_297 : i32 to index
        %get3A_317 = arith.constant 32 : index
        %get3A_318 = tpu.vector_load %arg8[%get3A_316, %get3A_317] {strides = array<i32>} : memref<50x128xf32, #tpu.memory_space<vmem>>, vector<1x16xf32>,
        %get3A_319 = vector.shape_cast %get3A_318 : vector<1x16xf32> to vector<16xf32>
        %add3A_320 = arith.addf %scan3A_300, %get3A_319 : vector<16xf32>
        %get3A_321 = arith.index_cast %scan3A_297 : i32 to index
        %get3A_322 = arith.constant 48 : index
        %get3A_323 = tpu.vector_load %arg8[%get3A_321, %get3A_322] {strides = array<i32>} : memref<50x128xf32, #tpu.memory_space<vmem>>, vector<1x16xf32>,
        %get3A_324 = vector.shape_cast %get3A_323 : vector<1x16xf32> to vector<16xf32>
        %add3A_325 = arith.addf %scan3A_301, %get3A_324 : vector<16xf32>
        %get3A_326 = arith.index_cast %scan3A_297 : i32 to index
        %get3A_327 = arith.constant 64 : index
        %get3A_328 = tpu.vector_load %arg8[%get3A_326, %get3A_327] {strides = array<i32>} : memref<50x128xf32, #tpu.memory_space<vmem>>, vector<1x16xf32>,
        %get3A_329 = vector.shape_cast %get3A_328 : vector<1x16xf32> to vector<16xf32>
        %add3A_330 = arith.addf %scan3A_302, %get3A_329 : vector<16xf32>
        %get3A_331 = arith.index_cast %scan3A_297 : i32 to index
        %get3A_332 = arith.constant 80 : index
        %get3A_333 = tpu.vector_load %arg8[%get3A_331, %get3A_332] {strides = array<i32>} : memref<50x128xf32, #tpu.memory_space<vmem>>, vector<1x16xf32>,
        %get3A_334 = vector.shape_cast %get3A_333 : vector<1x16xf32> to vector<16xf32>
        %add3A_335 = arith.addf %scan3A_303, %get3A_334 : vector<16xf32>
        %get3A_336 = arith.index_cast %scan3A_297 : i32 to index
        %get3A_337 = arith.constant 96 : index
        %get3A_338 = tpu.vector_load %arg8[%get3A_336, %get3A_337] {strides = array<i32>} : memref<50x128xf32, #tpu.memory_space<vmem>>, vector<1x16xf32>,
        %get3A_339 = vector.shape_cast %get3A_338 : vector<1x16xf32> to vector<16xf32>
        %add3A_340 = arith.addf %scan3A_304, %get3A_339 : vector<16xf32>
        %get3A_341 = arith.index_cast %scan3A_297 : i32 to index
        %get3A_342 = arith.constant 112 : index
        %get3A_343 = tpu.vector_load %arg8[%get3A_341, %get3A_342] {strides = array<i32>} : memref<50x128xf32, #tpu.memory_space<vmem>>, vector<1x16xf32>,
        %get3A_344 = vector.shape_cast %get3A_343 : vector<1x16xf32> to vector<16xf32>
        %add3A_345 = arith.addf %scan3A_305, %get3A_344 : vector<16xf32>
        scf.yield %add3A_310, %add3A_315, %add3A_320, %add3A_325, %add3A_330, %add3A_335, %add3A_340, %add3A_345 : vector<16xf32>, vector<16xf32>, vector<16xf32>, vector<16xf32>, vector<16xf32>, vector<16xf32>, vector<16xf32>, vector<16xf32>
      }
      %scan3A_195 = arith.constant 50 : i32
      %lt3A_196 = arith.constant 15 : i32
      %lt3A_197 = arith.cmpi slt, %scan3A_60, %lt3A_196 : i32
      %convert_element_type3A_198 = arith.extui %lt3A_197 : i1 to i32
      %cond3A_199 = arith.constant 0 : i32
      %cond3A_200 = arith.cmpi ne, %convert_element_type3A_198, %cond3A_199 : i32
      scf.if %cond3A_200 {
        %mul3A_297 = arith.constant 2 : i32
        %mul3A_298 = arith.muli %mul3A_297, %scan3A_60 : i32
        %add3A_299 = arith.constant 3 : i32
        %add3A_300 = arith.addi %mul3A_298, %add3A_299 : i32
        %mul3A_301 = arith.constant 64 : i32
        %mul3A_302 = arith.muli %add3A_300, %mul3A_301 : i32
        %multiple_of3A_303 = tpu.assume_multiple %mul3A_302, 8 : i32
        %dma_start3A_304 = tpu.memref_slice %arg6[%multiple_of3A_303] : memref<2048xi32, #tpu.memory_space<vmem>> -> memref<50xi32, #tpu.memory_space<vmem>>
        %dma_start3A_305 = arith.constant 0 : i32
        %dma_start3A_306 = arith.constant 0 : i32
        %dma_start3A_307 = tpu.memref_slice %arg3[%dma_start3A_305, %dma_start3A_306] : memref<100000x128xf32, #tpu.memory_space<hbm>> -> memref<100000x128xf32, #tpu.memory_space<hbm>>
        tpu.enqueue_indirect_dma source(%dma_start3A_307 : memref<100000x128xf32, #tpu.memory_space<hbm>>) target(%arg8 : memref<50x128xf32, #tpu.memory_space<vmem>>) offsets(%dma_start3A_304 : memref<50xi32, #tpu.memory_space<vmem>>) semaphore(%arg12 : memref<!tpu.dma_semaphore, #tpu.memory_space<semaphore_mem>>)
      } else {
      }
      %mul3A_201 = vector.broadcast %scan3A_54 : f32 to vector<16xf32>
      %mul3A_202 = arith.mulf %scan3A_194#0, %mul3A_201 : vector<16xf32>
      %add3A_203 = arith.addf %mul3A_202, %get3A_8 : vector<16xf32>
      %mul3A_204 = arith.constant 2 : i32
      %mul3A_205 = arith.muli %mul3A_204, %scan3A_60 : i32
      %add3A_206 = arith.constant 1 : i32
      %add3A_207 = arith.addi %mul3A_205, %add3A_206 : i32
      %swap3A_208 = arith.index_cast %add3A_207 : i32 to index
      %swap3A_209 = arith.constant 0 : index
      %swap3A_210 = tpu.vector_load %arg10[%swap3A_208, %swap3A_209] {strides = array<i32>} : memref<32x128xf32, #tpu.memory_space<vmem>>, vector<1x16xf32>,
      %swap3A_211 = vector.shape_cast %swap3A_210 : vector<1x16xf32> to vector<16xf32>
      %swap3A_212 = vector.shape_cast %add3A_203 : vector<16xf32> to vector<1x16xf32>
      tpu.vector_store %arg10[%swap3A_208, %swap3A_209], %swap3A_212 {strides = array<i32>} : memref<32x128xf32, #tpu.memory_space<vmem>>, vector<1x16xf32>,
      %mul3A_213 = vector.broadcast %scan3A_54 : f32 to vector<16xf32>
      %mul3A_214 = arith.mulf %scan3A_194#1, %mul3A_213 : vector<16xf32>
      %add3A_215 = arith.addf %mul3A_214, %get3A_13 : vector<16xf32>
      %mul3A_216 = arith.constant 2 : i32
      %mul3A_217 = arith.muli %mul3A_216, %scan3A_60 : i32
      %add3A_218 = arith.constant 1 : i32
      %add3A_219 = arith.addi %mul3A_217, %add3A_218 : i32
      %swap3A_220 = arith.index_cast %add3A_219 : i32 to index
      %swap3A_221 = arith.constant 16 : index
      %swap3A_222 = tpu.vector_load %arg10[%swap3A_220, %swap3A_221] {strides = array<i32>} : memref<32x128xf32, #tpu.memory_space<vmem>>, vector<1x16xf32>,
      %swap3A_223 = vector.shape_cast %swap3A_222 : vector<1x16xf32> to vector<16xf32>
      %swap3A_224 = vector.shape_cast %add3A_215 : vector<16xf32> to vector<1x16xf32>
      tpu.vector_store %arg10[%swap3A_220, %swap3A_221], %swap3A_224 {strides = array<i32>} : memref<32x128xf32, #tpu.memory_space<vmem>>, vector<1x16xf32>,
      %mul3A_225 = vector.broadcast %scan3A_54 : f32 to vector<16xf32>
      %mul3A_226 = arith.mulf %scan3A_194#2, %mul3A_225 : vector<16xf32>
      %add3A_227 = arith.addf %mul3A_226, %get3A_18 : vector<16xf32>
      %mul3A_228 = arith.constant 2 : i32
      %mul3A_229 = arith.muli %mul3A_228, %scan3A_60 : i32
      %add3A_230 = arith.constant 1 : i32
      %add3A_231 = arith.addi %mul3A_229, %add3A_230 : i32
      %swap3A_232 = arith.index_cast %add3A_231 : i32 to index
      %swap3A_233 = arith.constant 32 : index
      %swap3A_234 = tpu.vector_load %arg10[%swap3A_232, %swap3A_233] {strides = array<i32>} : memref<32x128xf32, #tpu.memory_space<vmem>>, vector<1x16xf32>,
      %swap3A_235 = vector.shape_cast %swap3A_234 : vector<1x16xf32> to vector<16xf32>
      %swap3A_236 = vector.shape_cast %add3A_227 : vector<16xf32> to vector<1x16xf32>
      tpu.vector_store %arg10[%swap3A_232, %swap3A_233], %swap3A_236 {strides = array<i32>} : memref<32x128xf32, #tpu.memory_space<vmem>>, vector<1x16xf32>,
      %mul3A_237 = vector.broadcast %scan3A_54 : f32 to vector<16xf32>
      %mul3A_238 = arith.mulf %scan3A_194#3, %mul3A_237 : vector<16xf32>
      %add3A_239 = arith.addf %mul3A_238, %get3A_23 : vector<16xf32>
      %mul3A_240 = arith.constant 2 : i32
      %mul3A_241 = arith.muli %mul3A_240, %scan3A_60 : i32
      %add3A_242 = arith.constant 1 : i32
      %add3A_243 = arith.addi %mul3A_241, %add3A_242 : i32
      %swap3A_244 = arith.index_cast %add3A_243 : i32 to index
      %swap3A_245 = arith.constant 48 : index
      %swap3A_246 = tpu.vector_load %arg10[%swap3A_244, %swap3A_245] {strides = array<i32>} : memref<32x128xf32, #tpu.memory_space<vmem>>, vector<1x16xf32>,
      %swap3A_247 = vector.shape_cast %swap3A_246 : vector<1x16xf32> to vector<16xf32>
      %swap3A_248 = vector.shape_cast %add3A_239 : vector<16xf32> to vector<1x16xf32>
      tpu.vector_store %arg10[%swap3A_244, %swap3A_245], %swap3A_248 {strides = array<i32>} : memref<32x128xf32, #tpu.memory_space<vmem>>, vector<1x16xf32>,
      %mul3A_249 = vector.broadcast %scan3A_54 : f32 to vector<16xf32>
      %mul3A_250 = arith.mulf %scan3A_194#4, %mul3A_249 : vector<16xf32>
      %add3A_251 = arith.addf %mul3A_250, %get3A_28 : vector<16xf32>
      %mul3A_252 = arith.constant 2 : i32
      %mul3A_253 = arith.muli %mul3A_252, %scan3A_60 : i32
      %add3A_254 = arith.constant 1 : i32
      %add3A_255 = arith.addi %mul3A_253, %add3A_254 : i32
      %swap3A_256 = arith.index_cast %add3A_255 : i32 to index
      %swap3A_257 = arith.constant 64 : index
      %swap3A_258 = tpu.vector_load %arg10[%swap3A_256, %swap3A_257] {strides = array<i32>} : memref<32x128xf32, #tpu.memory_space<vmem>>, vector<1x16xf32>,
      %swap3A_259 = vector.shape_cast %swap3A_258 : vector<1x16xf32> to vector<16xf32>
      %swap3A_260 = vector.shape_cast %add3A_251 : vector<16xf32> to vector<1x16xf32>
      tpu.vector_store %arg10[%swap3A_256, %swap3A_257], %swap3A_260 {strides = array<i32>} : memref<32x128xf32, #tpu.memory_space<vmem>>, vector<1x16xf32>,
      %mul3A_261 = vector.broadcast %scan3A_54 : f32 to vector<16xf32>
      %mul3A_262 = arith.mulf %scan3A_194#5, %mul3A_261 : vector<16xf32>
      %add3A_263 = arith.addf %mul3A_262, %get3A_33 : vector<16xf32>
      %mul3A_264 = arith.constant 2 : i32
      %mul3A_265 = arith.muli %mul3A_264, %scan3A_60 : i32
      %add3A_266 = arith.constant 1 : i32
      %add3A_267 = arith.addi %mul3A_265, %add3A_266 : i32
      %swap3A_268 = arith.index_cast %add3A_267 : i32 to index
      %swap3A_269 = arith.constant 80 : index
      %swap3A_270 = tpu.vector_load %arg10[%swap3A_268, %swap3A_269] {strides = array<i32>} : memref<32x128xf32, #tpu.memory_space<vmem>>, vector<1x16xf32>,
      %swap3A_271 = vector.shape_cast %swap3A_270 : vector<1x16xf32> to vector<16xf32>
      %swap3A_272 = vector.shape_cast %add3A_263 : vector<16xf32> to vector<1x16xf32>
      tpu.vector_store %arg10[%swap3A_268, %swap3A_269], %swap3A_272 {strides = array<i32>} : memref<32x128xf32, #tpu.memory_space<vmem>>, vector<1x16xf32>,
      %mul3A_273 = vector.broadcast %scan3A_54 : f32 to vector<16xf32>
      %mul3A_274 = arith.mulf %scan3A_194#6, %mul3A_273 : vector<16xf32>
      %add3A_275 = arith.addf %mul3A_274, %get3A_38 : vector<16xf32>
      %mul3A_276 = arith.constant 2 : i32
      %mul3A_277 = arith.muli %mul3A_276, %scan3A_60 : i32
      %add3A_278 = arith.constant 1 : i32
      %add3A_279 = arith.addi %mul3A_277, %add3A_278 : i32
      %swap3A_280 = arith.index_cast %add3A_279 : i32 to index
      %swap3A_281 = arith.constant 96 : index
      %swap3A_282 = tpu.vector_load %arg10[%swap3A_280, %swap3A_281] {strides = array<i32>} : memref<32x128xf32, #tpu.memory_space<vmem>>, vector<1x16xf32>,
      %swap3A_283 = vector.shape_cast %swap3A_282 : vector<1x16xf32> to vector<16xf32>
      %swap3A_284 = vector.shape_cast %add3A_275 : vector<16xf32> to vector<1x16xf32>
      tpu.vector_store %arg10[%swap3A_280, %swap3A_281], %swap3A_284 {strides = array<i32>} : memref<32x128xf32, #tpu.memory_space<vmem>>, vector<1x16xf32>,
      %mul3A_285 = vector.broadcast %scan3A_54 : f32 to vector<16xf32>
      %mul3A_286 = arith.mulf %scan3A_194#7, %mul3A_285 : vector<16xf32>
      %add3A_287 = arith.addf %mul3A_286, %get3A_43 : vector<16xf32>
      %mul3A_288 = arith.constant 2 : i32
      %mul3A_289 = arith.muli %mul3A_288, %scan3A_60 : i32
      %add3A_290 = arith.constant 1 : i32
      %add3A_291 = arith.addi %mul3A_289, %add3A_290 : i32
      %swap3A_292 = arith.index_cast %add3A_291 : i32 to index
      %swap3A_293 = arith.constant 112 : index
      %swap3A_294 = tpu.vector_load %arg10[%swap3A_292, %swap3A_293] {strides = array<i32>} : memref<32x128xf32, #tpu.memory_space<vmem>>, vector<1x16xf32>,
      %swap3A_295 = vector.shape_cast %swap3A_294 : vector<1x16xf32> to vector<16xf32>
      %swap3A_296 = vector.shape_cast %add3A_287 : vector<16xf32> to vector<1x16xf32>
      tpu.vector_store %arg10[%swap3A_292, %swap3A_293], %swap3A_296 {strides = array<i32>} : memref<32x128xf32, #tpu.memory_space<vmem>>, vector<1x16xf32>,
    }
    %scan3A_59 = arith.constant 16 : i32
    "tpu.region"() ({
      %run_scoped3A = tpu.sem_alloc : memref<!tpu.dma_semaphore, #tpu.memory_space<semaphore_mem>>
      %dma_start3A_60 = arith.constant 0 : i32
      %dma_start3A_61 = tpu.memref_slice %arg5[%mul3A_2, %dma_start3A_60] : memref<1024x128xf32, #tpu.memory_space<hbm>> -> memref<32x128xf32, #tpu.memory_space<hbm>>
      %dma_start3A_62 = arith.constant 0 : i32
      %dma_start3A_63 = tpu.memref_slice %arg5[%mul3A_2, %dma_start3A_62] : memref<1024x128xf32, #tpu.memory_space<hbm>> -> memref<32x128xf32, #tpu.memory_space<hbm>>
      tpu.enqueue_dma source(%arg10 : memref<32x128xf32, #tpu.memory_space<vmem>>) target(%dma_start3A_63 : memref<32x128xf32, #tpu.memory_space<hbm>>) target_semaphore(%run_scoped3A : memref<!tpu.dma_semaphore, #tpu.memory_space<semaphore_mem>>)
      %dma_wait3A = arith.constant 0 : i32
      %dma_wait3A_64 = tpu.memref_slice %arg5[%mul3A_2, %dma_wait3A] : memref<1024x128xf32, #tpu.memory_space<hbm>> -> memref<32x128xf32, #tpu.memory_space<hbm>>
      %dma_wait3A_65 = arith.constant 0 : i32
      %dma_wait3A_66 = tpu.memref_slice %arg5[%mul3A_2, %dma_wait3A_65] : memref<1024x128xf32, #tpu.memory_space<hbm>> -> memref<32x128xf32, #tpu.memory_space<hbm>>
      tpu.wait_dma2 semaphore(%run_scoped3A : memref<!tpu.dma_semaphore, #tpu.memory_space<semaphore_mem>>) src(%arg10 : memref<32x128xf32, #tpu.memory_space<vmem>>) dst(%dma_wait3A_66 : memref<32x128xf32, #tpu.memory_space<hbm>>)
      tpu.yield
    }) : () -> ()
    return
  }
}

module attributes {stable_mosaic.version = 14 : i64} {
  func.func @p1(%arg0: i32, %arg1: memref<1024x128xf32, #tpu.memory_space<vmem>>, %arg2: memref<1024x128xf32, #tpu.memory_space<vmem>>, %arg3: memref<1x1024xf32, #tpu.memory_space<vmem>>, %arg4: memref<1024x1xf32, #tpu.memory_space<vmem>>, %arg5: memref<1024x1xf32, #tpu.memory_space<vmem>>, %arg6: memref<1024x1xf32, #tpu.memory_space<vmem>>, %arg7: memref<1024x1xf32, #tpu.memory_space<vmem>>) attributes {dimension_semantics = [#tpu.dimension_semantics<arbitrary>], iteration_bounds = array<i64: 98>, scalar_prefetch = 0 : i64, scratch_operands = 2 : i64, tpu.core_type = #tpu.core_type<tc>, window_params = [{pipeline_mode = #tpu.pipeline_mode<synchronous>, transform_indices = @transform_0, window_bounds = array<i64: 1024, 128>}, {transform_indices = @transform_1, window_bounds = array<i64: 1024, 128>}, {transform_indices = @transform_2, window_bounds = array<i64: 1, 1024>}, {pipeline_mode = #tpu.pipeline_mode<synchronous>, transform_indices = @transform_3, window_bounds = array<i64: 1024, 1>}, {pipeline_mode = #tpu.pipeline_mode<synchronous>, transform_indices = @transform_4, window_bounds = array<i64: 1024, 1>}]} {
    %get3A = arith.constant 0 : index
    %get3A_0 = arith.constant 0 : index
    %get3A_1 = vector.load %arg1[%get3A, %get3A_0] : memref<1024x128xf32, #tpu.memory_space<vmem>>, vector<1024x128xf32>
    %convert_element_type3A = arith.truncf %get3A_1 : vector<1024x128xf32> to vector<1024x128xbf16>
    %get3A_2 = arith.constant 0 : index
    %get3A_3 = arith.constant 0 : index
    %get3A_4 = vector.load %arg2[%get3A_2, %get3A_3] : memref<1024x128xf32, #tpu.memory_space<vmem>>, vector<1024x128xf32>
    %convert_element_type3A_5 = arith.truncf %get3A_4 : vector<1024x128xf32> to vector<1024x128xbf16>
    %dot_general3A = arith.constant dense<0.000000e+00> : vector<1024x1024xf32>
    %dot_general3A_6 = tpu.matmul %convert_element_type3A, %convert_element_type3A_5, %dot_general3A {dimension_numbers = #tpu.dot_dimension_numbers<[1], [1], [0], [0], [0, 0, 1, 0], [], []>, transpose_lhs_hint = false} : vector<1024x128xbf16>, vector<1024x128xbf16>, vector<1024x1024xf32> -> vector<1024x1024xf32>
    %get3A_7 = arith.constant 0 : index
    %get3A_8 = arith.constant 0 : index
    %get3A_9 = vector.load %arg3[%get3A_7, %get3A_8] : memref<1x1024xf32, #tpu.memory_space<vmem>>, vector<1x1024xf32>
    %add3A = vector.broadcast %get3A_9 : vector<1x1024xf32> to vector<1024x1024xf32>
    %add3A_10 = arith.addf %dot_general3A_6, %add3A : vector<1024x1024xf32>
    %eq3A = arith.constant 0 : i32
    %eq3A_11 = arith.cmpi eq, %arg0, %eq3A : i32
    %convert_element_type3A_12 = arith.extui %eq3A_11 : i1 to i32
    %cond3A = arith.constant 0 : i32
    %cond3A_13 = arith.cmpi ne, %convert_element_type3A_12, %cond3A : i32
    scf.if %cond3A_13 {
      %broadcast_in_dim3A = arith.constant -1.000000e+30 : f32
      %broadcast_in_dim3A_23 = vector.broadcast %broadcast_in_dim3A : f32 to vector<1024x1xf32>
      %swap3A = arith.constant 0 : index
      %swap3A_24 = arith.constant 0 : index
      %swap3A_25 = vector.load %arg6[%swap3A, %swap3A_24] : memref<1024x1xf32, #tpu.memory_space<vmem>>, vector<1024x1xf32>
      tpu.vector_store %arg6[%swap3A, %swap3A_24], %broadcast_in_dim3A_23 {strides = array<i32>} : memref<1024x1xf32, #tpu.memory_space<vmem>>, vector<1024x1xf32>,
      %broadcast_in_dim3A_26 = arith.constant 0.000000e+00 : f32
      %broadcast_in_dim3A_27 = vector.broadcast %broadcast_in_dim3A_26 : f32 to vector<1024x1xf32>
      %swap3A_28 = arith.constant 0 : index
      %swap3A_29 = arith.constant 0 : index
      %swap3A_30 = vector.load %arg7[%swap3A_28, %swap3A_29] : memref<1024x1xf32, #tpu.memory_space<vmem>>, vector<1024x1xf32>
      tpu.vector_store %arg7[%swap3A_28, %swap3A_29], %broadcast_in_dim3A_27 {strides = array<i32>} : memref<1024x1xf32, #tpu.memory_space<vmem>>, vector<1024x1xf32>,
    } else {
    }
    %lt3A = arith.constant 97 : i32
    %lt3A_14 = arith.cmpi slt, %arg0, %lt3A : i32
    %convert_element_type3A_15 = arith.extui %lt3A_14 : i1 to i32
    %cond3A_16 = arith.constant 0 : i32
    %cond3A_17 = arith.cmpi ne, %convert_element_type3A_15, %cond3A_16 : i32
    scf.if %cond3A_17 {
      %reduce_max3A = arith.constant dense<0xFF800000> : vector<1024xf32>
      %reduce_max3A_23 = vector.multi_reduction <maximumf>, %add3A_10, %reduce_max3A [1] : vector<1024x1024xf32> to vector<1024xf32>
      %broadcast_in_dim3A = vector.shape_cast %reduce_max3A_23 : vector<1024xf32> to vector<1024x1xf32>
      %get3A_24 = arith.constant 0 : index
      %get3A_25 = arith.constant 0 : index
      %get3A_26 = vector.load %arg6[%get3A_24, %get3A_25] : memref<1024x1xf32, #tpu.memory_space<vmem>>, vector<1024x1xf32>
      %max3A = arith.maximumf %get3A_26, %broadcast_in_dim3A : vector<1024x1xf32>
      %get3A_27 = arith.constant 0 : index
      %get3A_28 = arith.constant 0 : index
      %get3A_29 = vector.load %arg7[%get3A_27, %get3A_28] : memref<1024x1xf32, #tpu.memory_space<vmem>>, vector<1024x1xf32>
      %sub3A = arith.subf %get3A_26, %max3A : vector<1024x1xf32>
      %exp3A = math.exp %sub3A : vector<1024x1xf32>
      %mul3A = arith.mulf %get3A_29, %exp3A : vector<1024x1xf32>
      %sub3A_30 = vector.broadcast %max3A : vector<1024x1xf32> to vector<1024x1024xf32>
      %sub3A_31 = arith.subf %add3A_10, %sub3A_30 : vector<1024x1024xf32>
      %exp3A_32 = math.exp %sub3A_31 : vector<1024x1024xf32>
      %reduce_sum3A = arith.constant dense<0.000000e+00> : vector<1024xf32>
      %reduce_sum3A_33 = vector.multi_reduction <add>, %exp3A_32, %reduce_sum3A [1] : vector<1024x1024xf32> to vector<1024xf32>
      %broadcast_in_dim3A_34 = vector.shape_cast %reduce_sum3A_33 : vector<1024xf32> to vector<1024x1xf32>
      %add3A_35 = arith.addf %mul3A, %broadcast_in_dim3A_34 : vector<1024x1xf32>
      %swap3A = arith.constant 0 : index
      %swap3A_36 = arith.constant 0 : index
      %swap3A_37 = vector.load %arg7[%swap3A, %swap3A_36] : memref<1024x1xf32, #tpu.memory_space<vmem>>, vector<1024x1xf32>
      tpu.vector_store %arg7[%swap3A, %swap3A_36], %add3A_35 {strides = array<i32>} : memref<1024x1xf32, #tpu.memory_space<vmem>>, vector<1024x1xf32>,
      %swap3A_38 = arith.constant 0 : index
      %swap3A_39 = arith.constant 0 : index
      %swap3A_40 = vector.load %arg6[%swap3A_38, %swap3A_39] : memref<1024x1xf32, #tpu.memory_space<vmem>>, vector<1024x1xf32>
      tpu.vector_store %arg6[%swap3A_38, %swap3A_39], %max3A {strides = array<i32>} : memref<1024x1xf32, #tpu.memory_space<vmem>>, vector<1024x1xf32>,
    } else {
    }
    %eq3A_18 = arith.constant 97 : i32
    %eq3A_19 = arith.cmpi eq, %arg0, %eq3A_18 : i32
    %convert_element_type3A_20 = arith.extui %eq3A_19 : i1 to i32
    %cond3A_21 = arith.constant 0 : i32
    %cond3A_22 = arith.cmpi ne, %convert_element_type3A_20, %cond3A_21 : i32
    scf.if %cond3A_22 {
      %mul3A = arith.constant 1024 : i32
      %mul3A_23 = arith.muli %arg0, %mul3A : i32
      %iota3A = tpu.iota {dimensions = array<i32: 1>} : vector<1x1024xi32>
      %add3A_24 = vector.broadcast %mul3A_23 : i32 to vector<1x1024xi32>
      %add3A_25 = arith.addi %add3A_24, %iota3A : vector<1x1024xi32>
      %lt3A_26 = arith.constant 100001 : i32
      %lt3A_27 = vector.broadcast %lt3A_26 : i32 to vector<1x1024xi32>
      %lt3A_28 = arith.cmpi slt, %add3A_25, %lt3A_27 : vector<1x1024xi32>
      %jit3A = arith.constant -1.000000e+30 : f32
      %broadcast_in_dim3A = vector.shape_cast %lt3A_28 : vector<1x1024xi1> to vector<1x1024xi1>
      %broadcast_in_dim3A_29 = vector.broadcast %broadcast_in_dim3A : vector<1x1024xi1> to vector<1024x1024xi1>
      %broadcast_in_dim3A_30 = vector.broadcast %jit3A : f32 to vector<1024x1024xf32>
      %select_n3A = arith.select %broadcast_in_dim3A_29, %add3A_10, %broadcast_in_dim3A_30 : vector<1024x1024xi1>, vector<1024x1024xf32>
      %reduce_max3A = arith.constant dense<0xFF800000> : vector<1024xf32>
      %reduce_max3A_31 = vector.multi_reduction <maximumf>, %select_n3A, %reduce_max3A [1] : vector<1024x1024xf32> to vector<1024xf32>
      %broadcast_in_dim3A_32 = vector.shape_cast %reduce_max3A_31 : vector<1024xf32> to vector<1024x1xf32>
      %get3A_33 = arith.constant 0 : index
      %get3A_34 = arith.constant 0 : index
      %get3A_35 = vector.load %arg6[%get3A_33, %get3A_34] : memref<1024x1xf32, #tpu.memory_space<vmem>>, vector<1024x1xf32>
      %max3A = arith.maximumf %get3A_35, %broadcast_in_dim3A_32 : vector<1024x1xf32>
      %get3A_36 = arith.constant 0 : index
      %get3A_37 = arith.constant 0 : index
      %get3A_38 = vector.load %arg7[%get3A_36, %get3A_37] : memref<1024x1xf32, #tpu.memory_space<vmem>>, vector<1024x1xf32>
      %sub3A = arith.subf %get3A_35, %max3A : vector<1024x1xf32>
      %exp3A = math.exp %sub3A : vector<1024x1xf32>
      %mul3A_39 = arith.mulf %get3A_38, %exp3A : vector<1024x1xf32>
      %sub3A_40 = vector.broadcast %max3A : vector<1024x1xf32> to vector<1024x1024xf32>
      %sub3A_41 = arith.subf %select_n3A, %sub3A_40 : vector<1024x1024xf32>
      %exp3A_42 = math.exp %sub3A_41 : vector<1024x1024xf32>
      %reduce_sum3A = arith.constant dense<0.000000e+00> : vector<1024xf32>
      %reduce_sum3A_43 = vector.multi_reduction <add>, %exp3A_42, %reduce_sum3A [1] : vector<1024x1024xf32> to vector<1024xf32>
      %broadcast_in_dim3A_44 = vector.shape_cast %reduce_sum3A_43 : vector<1024xf32> to vector<1024x1xf32>
      %add3A_45 = arith.addf %mul3A_39, %broadcast_in_dim3A_44 : vector<1024x1xf32>
      %swap3A = arith.constant 0 : index
      %swap3A_46 = arith.constant 0 : index
      %swap3A_47 = vector.load %arg7[%swap3A, %swap3A_46] : memref<1024x1xf32, #tpu.memory_space<vmem>>, vector<1024x1xf32>
      tpu.vector_store %arg7[%swap3A, %swap3A_46], %add3A_45 {strides = array<i32>} : memref<1024x1xf32, #tpu.memory_space<vmem>>, vector<1024x1xf32>,
      %swap3A_48 = arith.constant 0 : index
      %swap3A_49 = arith.constant 0 : index
      %swap3A_50 = vector.load %arg6[%swap3A_48, %swap3A_49] : memref<1024x1xf32, #tpu.memory_space<vmem>>, vector<1024x1xf32>
      tpu.vector_store %arg6[%swap3A_48, %swap3A_49], %max3A {strides = array<i32>} : memref<1024x1xf32, #tpu.memory_space<vmem>>, vector<1024x1xf32>,
      %get3A_51 = arith.constant 0 : index
      %get3A_52 = arith.constant 0 : index
      %get3A_53 = vector.load %arg6[%get3A_51, %get3A_52] : memref<1024x1xf32, #tpu.memory_space<vmem>>, vector<1024x1xf32>
      %swap3A_54 = arith.constant 0 : index
      %swap3A_55 = arith.constant 0 : index
      %swap3A_56 = vector.load %arg4[%swap3A_54, %swap3A_55] : memref<1024x1xf32, #tpu.memory_space<vmem>>, vector<1024x1xf32>
      tpu.vector_store %arg4[%swap3A_54, %swap3A_55], %get3A_53 {strides = array<i32>} : memref<1024x1xf32, #tpu.memory_space<vmem>>, vector<1024x1xf32>,
      %get3A_57 = arith.constant 0 : index
      %get3A_58 = arith.constant 0 : index
      %get3A_59 = vector.load %arg7[%get3A_57, %get3A_58] : memref<1024x1xf32, #tpu.memory_space<vmem>>, vector<1024x1xf32>
      %swap3A_60 = arith.constant 0 : index
      %swap3A_61 = arith.constant 0 : index
      %swap3A_62 = vector.load %arg5[%swap3A_60, %swap3A_61] : memref<1024x1xf32, #tpu.memory_space<vmem>>, vector<1024x1xf32>
      tpu.vector_store %arg5[%swap3A_60, %swap3A_61], %get3A_59 {strides = array<i32>} : memref<1024x1xf32, #tpu.memory_space<vmem>>, vector<1024x1xf32>,
    } else {
    }
    return
  }
  func.func @transform_0(%arg0: i32) -> (i32, i32) {
    %c0_i32 = arith.constant 0 : i32
    %c0_i32_0 = arith.constant 0 : i32
    %c0_i32_1 = arith.constant 0 : i32
    return %c0_i32, %c0_i32_0 : i32, i32
  }
  func.func @transform_1(%arg0: i32) -> (i32, i32) {
    %c0_i32 = arith.constant 0 : i32
    %c0_i32_0 = arith.constant 0 : i32
    return %arg0, %c0_i32 : i32, i32
  }
  func.func @transform_2(%arg0: i32) -> (i32, i32) {
    %c0_i32 = arith.constant 0 : i32
    %c0_i32_0 = arith.constant 0 : i32
    return %c0_i32, %arg0 : i32, i32
  }
  func.func @transform_3(%arg0: i32) -> (i32, i32) {
    %c0_i32 = arith.constant 0 : i32
    %c0_i32_0 = arith.constant 0 : i32
    %c0_i32_1 = arith.constant 0 : i32
    return %c0_i32, %c0_i32_0 : i32, i32
  }
  func.func @transform_4(%arg0: i32) -> (i32, i32) {
    %c0_i32 = arith.constant 0 : i32
    %c0_i32_0 = arith.constant 0 : i32
    %c0_i32_1 = arith.constant 0 : i32
    return %c0_i32, %c0_i32_0 : i32, i32
  }
}

</mosaic_0001>

<sc_bundles>
// kernel: kernel.4.cloned.1.call-start
scs
__scs_entry_jumppad:
0x0: {  	(pc) =	sbr.rel $0x88, $3  }
0x1: {  	(tag) =	ssettag $0x0;
	lr =	simm.s32 $0x1  }
0x2: {  	[smem:$0x3F9C] =	sst lr;
	_ =	strace $0xD0000000  }
0x3: {  	_ = 	snop  }
0x4: {  	_ = 	snop  }
0x5: {  	_ = 	snop  }
0x6: {  	_ = 	snop  }
0x7: {  	_ = 	snop  }
__scs_overlays_trampoline_lowered:
0x8: {  	[smem:$0x3FAB] =	sst s0  }
0x9: {  	[smem:$0x3FAC] =	sst s1  }
0xa: {  	[smem:$0x3FAD] =	sst s2  }
0xb: {  	[smem:$0x3FAE] =	sst s3  }
0xc: {  	[smem:$0x3FAF] =	sst s4  }
0xd: {  	[smem:$0x3FB0] =	sst s5  }
0xe: {  	[smem:$0x3FB1] =	sst s6  }
0xf: {  	[smem:$0x3FB2] =	sst s7  }
0x10: {  	[smem:$0x3FB3] =	sst s8  }
0x11: {  	[smem:$0x3FB4] =	sst s9;
	s0 =	simm.s32 @!p0 $0x0  }
0x12: {  	s1 =	sld [smem:$0x3F9A];
	s0 =	simm.s32 @p0 $0x1  }
0x13: {  	[smem:$0x3FB5] =	sst s0;
	s0 =	simm.s32 @!p1 $0x0  }
0x14: {  	s2 =	sld [smem:$0x3F99];
	s0 =	simm.s32 @p1 $0x1  }
0x15: {  	[smem:$0x3FB6] =	sst s0;
	s0 =	simm.s32 @!p2 $0x0  }
0x16: {  	s3 =	sld [smem:$0x3FDB];
	s0 =	simm.s32 @p2 $0x1  }
0x17: {  	s4 =	simm.s32 $0x1BF5;
	[smem:$0x3FB8] =	sst s0  }
0x18: {  	s0 =	sld [smem:$0x3F9B];
	_ =	swait.ge [sflag:s4], $0x0  }
0x19: {  	s7 =	sld [smem:$0x3F9C]  }
0x1a: {  	s8 =	sadd.s32 $0xFFFFE003, lr  }
0x1b: {  	s9 =	sadd.s32 $0xFFFFFEF7, lr;
	s5 =	simm.s32 $0xFFFFFFFF;
	p2 =	slt.u32 s8, $0xFFFFF086  }
0x1c: {  	p1 =	slt.u32 s9, $0xF7A;
	s5 =	simm.s32 @!p2 $0x0  }
0x1d: {  	s5 =	simm.s32 @p1 $0x1;
	p0 =	seq.s32 s7, s2  }
0x1e: {  	s7 =	smul.u32 @!p0 $0xF7A, s2;
	p2 =	seq.s32 @!p0 s5, $0x0  }
0x1f: {  	s9 =	smul.u32 $0xF7A, s1;
	s8 =	simm.s32 @!p0 $0x1BF5;
	p2 =	por !p2, p0  }
0x20: {  	[sflag:s8] =	ssyncset.s32 @!p0 $0xFFFFF086;
	s6 =	sadd.s32 @!p0 s3, s7;
	s7 =	simm.s32 @!p0 $0x108  }
0x21: {  	s3 =	sadd.s32 s3, s9;
	s6 =	sadd.s32 @!p0 $0x88, s6;
	s7 =	simm.s32 @p2 $0x1082  }
0x22: {  	[simem:s7], [sflag:s8] =	dma.local @!p0 [hbm:s6], $0xF7A  }
0x23: {  	s9 =	sor.u32 $0xD0000000, s2;
	s6 =	simm.s32 $0x108;
	_ =	swait.ge @!p0 [sflag:s8], $0x0  }
0x24: {  	s3 =	sadd.s32 $0x88, s3;
	s6 =	simm.s32 @!p1 $0x1082;
	[sflag:s4] =	ssyncset.s32 $0xFFFFF086  }
0x25: {  	[simem:s6], [sflag:s4] =	dma.local [hbm:s3], $0xF7A  }
0x26: {  	[smem:$0x3F9C] =	sst s1;
	(tag) =	ssettag s2;
	_ =	strace s9  }
0x27: {  	s1 =	sld [smem:$0x3FAC]  }
0x28: {  	s2 =	sld [smem:$0x3FAD]  }
0x29: {  	s4 =	sld [smem:$0x3FAF]  }
0x2a: {  	p0 =	seq.s32 s5, $0x0;
	s5 =	sld [smem:$0x3FB0]  }
0x2b: {  	s6 =	sld [smem:$0x3FB1]  }
0x2c: {  	s7 =	sld [smem:$0x3FB2]  }
0x2d: {  	s3 =	simm.s32 $0x108;
	s8 =	sld [smem:$0x3FB3]  }
0x2e: {  	s3 =	simm.s32 @!p0 $0x1082;
	s9 =	sld [smem:$0x3FB4]  }
0x2f: {  	lr =	sadd.s32 s0, s3;
	s0 =	sld [smem:$0x3FAB]  }
0x30: {  	s3 =	sld [smem:$0x3FAE]  }
0x31: {  	[smem:$0x3FB7] =	sst s10  }
0x32: {  	s10 =	sld [smem:$0x3FB5];
	_ =	sdelay $0x3  }
0x33: {  	p0 =	seq.s32 s10, $0x1;
	s10 =	sld [smem:$0x3FB7];
	_ =	sdelay $0x3  }
0x34: {  	[smem:$0x3FB7] =	sst s10  }
0x35: {  	s10 =	sld [smem:$0x3FB6];
	_ =	sdelay $0x3  }
0x36: {  	p1 =	seq.s32 s10, $0x1;
	s10 =	sld [smem:$0x3FB7];
	_ =	sdelay $0x3  }
0x37: {  	[smem:$0x3FB7] =	sst s10  }
0x38: {  	s10 =	sld [smem:$0x3FB8]  }
0x39: {  	_ = 	snop;
	(pc) =	sbr.ind lr, $3  }
0x3a: {  	_ = 	snop  }
0x3b: {  	_ = 	snop  }
0x3c: {  	p2 =	seq.s32 s10, $0x1;
	s10 =	sld [smem:$0x3FB7]  }
0x3d: {  	_ =	shalt  }
0x3e: {  	_ =	shalt  }
0x3f: {  	_ =	shalt  }
0x40: {  	_ =	shalt  }
0x41: {  	_ =	shalt  }
0x42: {  	_ =	shalt  }
0x43: {  	_ =	shalt  }
0x44: {  	_ =	shalt  }
0x45: {  	_ =	shalt  }
0x46: {  	_ =	shalt  }
0x47: {  	_ =	shalt  }
0x48: {  	_ =	shalt  }
0x49: {  	_ =	shalt  }
0x4a: {  	_ =	shalt  }
0x4b: {  	_ =	shalt  }
0x4c: {  	_ =	shalt  }
0x4d: {  	_ =	shalt  }
0x4e: {  	_ =	shalt  }
0x4f: {  	_ =	shalt  }
0x50: {  	_ =	shalt  }
0x51: {  	_ =	shalt  }
0x52: {  	_ =	shalt  }
0x53: {  	_ =	shalt  }
0x54: {  	_ =	shalt  }
0x55: {  	_ =	shalt  }
0x56: {  	_ =	shalt  }
0x57: {  	_ =	shalt  }
0x58: {  	_ =	shalt  }
0x59: {  	_ =	shalt  }
0x5a: {  	_ =	shalt  }
0x5b: {  	_ =	shalt  }
0x5c: {  	_ =	shalt  }
0x5d: {  	_ =	shalt  }
0x5e: {  	_ =	shalt  }
0x5f: {  	_ =	shalt  }
0x60: {  	_ =	shalt  }
0x61: {  	_ =	shalt  }
0x62: {  	_ =	shalt  }
0x63: {  	_ =	shalt  }
0x64: {  	_ =	shalt  }
0x65: {  	_ =	shalt  }
0x66: {  	_ =	shalt  }
0x67: {  	_ =	shalt  }
0x68: {  	_ =	shalt  }
0x69: {  	_ =	shalt  }
0x6a: {  	_ =	shalt  }
0x6b: {  	_ =	shalt  }
0x6c: {  	_ =	shalt  }
0x6d: {  	_ =	shalt  }
0x6e: {  	_ =	shalt  }
0x6f: {  	_ =	shalt  }
0x70: {  	_ =	shalt  }
0x71: {  	_ =	shalt  }
0x72: {  	_ =	shalt  }
0x73: {  	_ =	shalt  }
0x74: {  	_ =	shalt  }
0x75: {  	_ =	shalt  }
0x76: {  	_ =	shalt  }
0x77: {  	_ =	shalt  }
0x78: {  	_ =	shalt  }
0x79: {  	_ =	shalt  }
0x7a: {  	_ =	shalt  }
0x7b: {  	_ =	shalt  }
0x7c: {  	_ =	shalt  }
0x7d: {  	_ =	shalt  }
0x7e: {  	_ =	shalt  }
0x7f: {  	_ =	shalt  }
0x80: {  	_ =	shalt  }
0x81: {  	_ =	shalt  }
0x82: {  	_ =	shalt  }
0x83: {  	_ =	shalt  }
0x84: {  	_ =	shalt  }
0x85: {  	_ =	shalt  }
0x86: {  	_ =	shalt  }
0x87: {  	_ =	shalt  }
.Lfunc_end0:
.L_simem_size_0:
called_computation_lowered:
.L_overlay_start_0:
0x88: {  	s2 =	sld [smem:$0x3FD9]  }
0x89: {  	s3 =	sld [smem:$0x3FFE];
	_ =	sdelay $0x1  }
0x8a: {  	s1 =	srdreg.scid  }
0x8b: {  	s0 =	sand.u32 $0x1, s1  }
0x8c: {  	s17 =	sshll.u32 s0, $0xA;
	s2 =	sadd.s32 s3, s2  }
0x8d: {  	s2 =	sadd.s32 s2, s17  }
0x8e: {  	[smem:$0x3FC3] =	sst s2  }
0x8f: {  	_ = 	snop  }
0x90: {  	s2 =	sld [smem:$0x3FC8]  }
0x91: {  	s18 =	sld [smem:$0x3FC7];
	(tm) =	ssettm $0x1  }
0x92: {  	s4 =	sld [smem:$0x3FFB];
	_ =	sdelay $0x3  }
0x93: {  	_ =	strace s4  }
0x94: {  	s4 =	sld [smem:$0x3FFC];
	_ =	sdelay $0x3  }
0x95: {  	_ =	strace s4  }
0x96: {  	s4 =	sld [smem:$0x3FFD];
	_ =	sdelay $0x3  }
0x97: {  	_ =	strace s4  }
0x98: {  	_ =	strace $0x8FFFFFFF  }
0x99: {  	s19 =	sld [smem:$0x3FDB];
	_ =	sdelay $0x1  }
0x9a: {  	s5 =	simm.s32 $_scs_section_size  }
0x9b: {  	s6 =	simm.s32 $_size__tile_overlayer_lowered;
	s7 =	simm.s32 $_tile_overlayer_lowered  }
0x9c: {  	s22 =	simm.s32 $0x1BFF;
	s21 =	sshll.u32 s7, $0x1;
	s4 =	sadd.s32 s5, s19  }
0x9d: {  	s8 =	simm.s32 $0x0;
	s20 =	sshll.u32 s6, $0x1;
	s6 =	sadd.s32 s21, s4  }
0x9e: {  	[timem:s8], [sflag:s22] =	dma.local [hbm:s6], s20  }
0x9f: {  	_ =	swait.ge [sflag:s22], s20  }
0xa0: {  	s5 =	ssub.s32 $0x0, s20;
	[sflag:s22] =	ssyncset.done $0x0  }
0xa1: {  	[sflag:s22] =	ssyncadd.s32 s5;
	_ =	sdelay $0x1  }
0xa2: {  	s23 =	simm.s32 $0x1B8B  }
0xa3: {  	_ =	swait.ge [sflag:s23], $0x1  }
0xa4: {  	[sflag:s23] =	ssyncset.done $0x0  }
0xa5: {  	s25 =	simm.s32 $0x1B8E;
	s24 =	sld [smem:$0x3FFE];
	[sflag:s23] =	ssyncadd.s32 $0xFFFFFFFF  }
0xa6: {  	s26 =	simm.s32 $execute0_lowered;
	[smem:$0x3FD2] =	sst s25  }
0xa7: {  	s6 =	sshll.u32 s26, $0x1;
	_ =	strace $0x80000046;
	[dreg:$0x1] =	wrdreg $0xFFFFFFFF  }
0xa8: {  	s28 =	simm.s32 $_size_execute0_lowered;
	s4 =	sadd.s32 s4, s6;
	[dreg:$0x0] =	wrdreg $0x0  }
0xa9: {  	s6 =	sshll.u32 s28, $0x1;
	[dreg:$0x2] =	wrdreg s4  }
0xaa: {  	[dreg:$0x3] =	wrdreg s6  }
0xab: {  	[dreg:$0x4] =	wrdreg $0xC0  }
0xac: {  	_ =	task [dreg:s8], $0x5FFFF  }
0xad: {  	[dreg:$0x1] =	wrdreg $0xFFFFFFFF  }
0xae: {  	[dreg:$0x0] =	wrdreg $0x60  }
0xaf: {  	[dreg:$0x2] =	wrdreg s24  }
0xb0: {  	[dreg:$0x3] =	wrdreg s2  }
0xb1: {  	[dreg:$0x4] =	wrdreg s18  }
0xb2: {  	[dreg:$0x5] =	wrdreg $0x9  }
0xb3: {  	_ =	task.clear_ibuf [dreg:s8], $0x6FFFF;
	_ =	strace $0x90000046  }
0xb4: {  	s29 =	simm.s32 $0x9;
	_ =	strace $0x80000048  }
0xb5: {  	_ =	swait.ge [sflag:s29], $0x1  }
0xb6: {  	[sflag:s29] =	ssyncadd.s32 $0xFFFFFFFF  }
0xb7: {  	_ =	strace $0x90000048  }
0xb8: {  	_ =	sfence  }
0xb9: {  	s30 =	sld [smem:$0x0];
	_ =	sdelay $0x2  }
0xba: {  	s31 =	sshll.u32 s1, $0xD;
	s1 =	sshrl.u32 s1, $0x2  }
0xbb: {  	s3 =	sand.u32 $0x4000, s31;
	s1 =	sadd.s32 s1, s30  }
0xbc: {  	s0 =	sor.u32 s3, s0;
	s1 =	sshll.u32 s1, $0x11  }
0xbd: {  	s0 =	sor.u32 s1, s0  }
0xbe: {  	s0 =	sadd.s32 $0x8F2B, s0  }
0xbf: {  	[sflag:s0] =	ssyncadd.remote.s32 $0x1  }
0xc0: {  	_ =	sfence.sel $0xFFFF  }
0xc1: {  	[dreg:$0x0] =	wrdreg $0xFFFFFFFF;
	(pc) =	sbr.abs _section_cstart, $3  }
0xc2: {  	[dreg:$0x1] =	wrdreg $0xFFFFFFFF  }
0xc3: {  	_ =	task.clear_ibuf [dreg:s8], $0x2FFFF;
	_ =	strace $0x9FFFFFFF  }
0xc4: {  	(tm) =	ssettm $0x7FFFFFFF  }
0xc5: {  	_ =	shalt  }
tec
execute0_lowered:
.L_overlay_start_1:
0x0: {  	(tag) =	ssettag $0x1  }
0x1: {  	s5 =	rddreg [dreg:$0x0]  }
0x2: {  	s2 =	rddreg [dreg:$0x1]  }
0x3: {  	s3 =	rddreg [dreg:$0x2]  }
0x4: {  	s0 =	rddreg [dreg:$0x3]  }
0x5: {  	s6 =	srdreg.scid;
	s1 =	stileid.u32  }
0x6: {  	s4 =	simm.s32 $0x0;
	s10 =	simm.s32 $0x32;
	s11 =	simm.s32 $0x800  }
0x7: {  	s12 =	simm.s32 $0x40;
	s13 =	simm.s32 $0x2400;
	s14 =	simm.s32 $0x1  }
0x8: {  	s15 =	simm.s32 $0x2;
	s16 =	simm.s32 $0x4100;
	s17 =	simm.s32 $0x0  }
0x9: {  	s6 =	sand.u32 $0x1, s6;
	s7 =	sshll.u32 s1, $0x1;
	[smem:$0x7FF] =	sst s4  }
0xa: {  	s23 =	simm.s32 $0x0;
	s7 =	sor.u32 s6, s7;
	_ =	strace $0x80000047  }
0xb: {  	s6 =	ssub.s32 $0x2, s6;
	s8 =	sshll.u32 s7, $0x8;
	s7 =	sshll.u32 s7, $0x9  }
0xc: {  	s9 =	sshrl.u32 s6, $0x1;
	s8 =	sadd.s32 s8, s5;
	s7 =	sadd.s32 s7, s5  }
0xd: {  	s9 =	ssub.s32 s6, s9;
	s5 =	sadd.s32 $0xA00, s8;
	s6 =	sadd.s32 $0x2A00, s7  }
0xe: {  	s7 =	smax.u32 s9, $0x1;
	s8 =	simm.s32 $0x3;
	s9 =	simm.s32 $0x4000  }
.LBB2_1:
0xf: {  	[tilespmem:s4], [sflag:$0x3] =	stream.linear.gather [hbm4b:s5+s4], $0x800, $0x38;
	[tilespmem:$0x5100] =	vst v63  }
0x10: {  	_ =	swait.ge [sflag:s8], $0x800  }
0x11: {  	[sflag:s8] =	ssyncset.done $0x0  }
0x12: {  	[sflag:s8] =	ssyncadd.s32 $0xFFFFF800  }
0x13: {  	[tilespmem:s9], [sflag:$0x3] =	stream.linear.gather [hbm4b:s3+s4], $0x100, $0x38;
	[tilespmem:$0x5100] =	vst v63  }
0x14: {  	_ =	swait.ge [sflag:s8], $0x100  }
0x15: {  	[sflag:s8] =	ssyncset.done $0x0  }
0x16: {  	[sflag:s8] =	ssyncadd.s32 $0xFFFFFF00  }
0x17: {  	v0 =	vld [tilespmem:$0x4000]  }
0x18: {  	v1 =	vld [tilespmem:$0x4010]  }
0x19: {  	v2 =	vld [tilespmem:$0x4020]  }
0x1a: {  	v3 =	vld [tilespmem:$0x4030]  }
0x1b: {  	v4 =	vld [tilespmem:$0x4040]  }
0x1c: {  	v5 =	vld [tilespmem:$0x4050]  }
0x1d: {  	v6 =	vld [tilespmem:$0x4060]  }
0x1e: {  	v7 =	vld [tilespmem:$0x4070];
	[tilespmem:s11], [sflag:$0x1] =	stream.indirect.gather [hbm4b:s2+s10], $0x80, s4, s10, $0xb8  }
0x1f: {  	s18 =	simm.s32 $0x0  }
0x20: {  	[tilespmem:s13], [sflag:$0x2] =	stream.indirect.gather [hbm4b:s2+s10], $0x80, s12, s10, $0xb8;
	[tilespmem:$0x5100] =	vst v63  }
.LBB2_2:
0x21: {  	_ =	swait.ge [sflag:s14], $0x1900  }
0x22: {  	[sflag:s14] =	ssyncset.done $0x0  }
0x23: {  	s21 =	simm.s32 $0x0;
	[sflag:s14] =	ssyncadd.s32 $0xFFFFE700  }
0x24: {  	v8 =	vld [tilespmem:s21+$0x870]  }
0x25: {  	v9 =	vld [tilespmem:s21+$0x800]  }
0x26: {  	v10 =	vld [tilespmem:s21+$0x810]  }
0x27: {  	v20 =	vld [tilespmem:s21+$0x820]  }
0x28: {  	v19 =	vld [tilespmem:s21+$0x830]  }
0x29: {  	v11 =	vimm.f32 $0.0e+00;
	v17 =	vimm.f32 $0.0e+00;
	v15 =	vld [tilespmem:s21+$0x840]  }
0x2a: {  	v18 =	vimm.f32 $0.0e+00;
	v13 =	vimm.f32 $0.0e+00;
	v16 =	vld [tilespmem:s21+$0x850];
	v8 =	vadd.f32 v8, v11  }
0x2b: {  	s19 =	simm.s32 $0x80;
	s20 =	simm.s32 $0x400;
	v14 =	vld [tilespmem:s21+$0x860];
	v12 =	vadd.f32 v9, v11;
	v10 =	vadd.f32 v10, v11;
	v9 =	vimm.f32 $0.0e+00  }
.LBB2_3:
0x2c: {  	p0 =	sne.s32 s20, $0x6200;
	v21 =	vld [tilespmem:s19+$0x870];
	v11 =	vadd.f32 v20, v11  }
0x2d: {  	v22 =	vld [tilespmem:s19+$0x800];
	v17 =	vadd.f32 v19, v17  }
0x2e: {  	v23 =	vld [tilespmem:s19+$0x810];
	v18 =	vadd.f32 v15, v18  }
.Ltmp0:
0x2f: {  	v20 =	vld [tilespmem:s19+$0x820];
	v13 =	vadd.f32 v16, v13;
	(pc) =	sbr.rel @p0 .LBB2_3-.Ltmp0, $4  }
0x30: {  	v19 =	vld [tilespmem:s19+$0x830];
	v9 =	vadd.f32 v14, v9  }
0x31: {  	v15 =	vld [tilespmem:s19+$0x840];
	v8 =	vadd.f32 v21, v8  }
0x32: {  	v12 =	vadd.f32 v22, v12;
	v16 =	vld [tilespmem:s19+$0x850]  }
0x33: {  	v10 =	vadd.f32 v23, v10;
	v14 =	vld [tilespmem:s19+$0x860];
	s19 =	sshra.s32 s20, $0x2;
	s20 =	sadd.s32 $0x200, s20  }
0x34: {  	v21 =	vld [tilespmem:s19+$0x800]  }
0x35: {  	v22 =	vld [tilespmem:s19+$0x810]  }
0x36: {  	v23 =	vld [tilespmem:s19+$0x820]  }
0x37: {  	v24 =	vld [tilespmem:s19+$0x830]  }
0x38: {  	v11 =	vadd.f32 v20, v11;
	v15 =	vadd.f32 v15, v18;
	v18 =	vld [tilespmem:s19+$0x860]  }
0x39: {  	p0 =	seq.s32 s18, $0xF;
	v13 =	vadd.f32 v16, v13;
	v16 =	vld [tilespmem:s19+$0x870];
	v12 =	vadd.f32 v21, v12  }
0x3a: {  	v20 =	vld [tilespmem:s19+$0x840];
	v17 =	vadd.f32 v19, v17;
	s20 =	sshll.u32 @!p0 s18, $0x7;
	v10 =	vadd.f32 v22, v10  }
0x3b: {  	s31 =	sshll.u32 s18, $0x8;
	v19 =	vld [tilespmem:s19+$0x850];
	s20 =	sand.u32 @!p0 $0x3FFFFF80, s20;
	v9 =	vadd.f32 v14, v9;
	v11 =	vadd.f32 v23, v11;
	v12 =	vmul.f32 $1.999999960e-02, v12  }
0x3c: {  	s21 =	simm.s32 @!p0 $0x32;
	s22 =	simm.s32 @!p0 $0x800;
	s19 =	sadd.s32 @!p0 $0x80, s20;
	v14 =	vadd.f32 v24, v17;
	v10 =	vmul.f32 $1.999999960e-02, v10  }
0x3d: {  	[tilespmem:s22], [sflag:$0x1] =	stream.indirect.gather @!p0 [hbm4b:s2+s21], $0x80, s19, s21, $0xb8;
	v11 =	vmul.f32 $1.999999960e-02, v11;
	v9 =	vadd.f32 v18, v9;
	v12 =	vadd.f32 v12, v0;
	[tilespmem:$0x5100] =	vst v63  }
0x3e: {  	s19 =	sand.u32 $0x3FFFFF00, s31;
	v14 =	vmul.f32 $1.999999960e-02, v14;
	v8 =	vadd.f32 v16, v8;
	v10 =	vadd.f32 v10, v1  }
0x3f: {  	v15 =	vadd.f32 v20, v15;
	v11 =	vadd.f32 v11, v2;
	v9 =	vmul.f32 $1.999999960e-02, v9;
	[tilespmem:s19+$0x4100] =	vst v12  }
0x40: {  	v13 =	vadd.f32 v19, v13;
	v8 =	vmul.f32 $1.999999960e-02, v8;
	[tilespmem:s19+$0x4110] =	vst v10;
	v10 =	vadd.f32 v14, v3  }
0x41: {  	v12 =	vmul.f32 $1.999999960e-02, v15;
	[tilespmem:s19+$0x4120] =	vst v11;
	v9 =	vadd.f32 v9, v6  }
0x42: {  	v13 =	vmul.f32 $1.999999960e-02, v13;
	v8 =	vadd.f32 v8, v7;
	[tilespmem:s19+$0x4130] =	vst v10  }
0x43: {  	v11 =	vadd.f32 v12, v4;
	[tilespmem:s19+$0x4160] =	vst v9  }
0x44: {  	v10 =	vadd.f32 v13, v5;
	[tilespmem:s19+$0x4170] =	vst v8  }
0x45: {  	[tilespmem:s19+$0x4140] =	vst v11  }
0x46: {  	[tilespmem:s19+$0x4150] =	vst v10  }
0x47: {  	_ =	swait.ge [sflag:s15], $0x1900  }
0x48: {  	[sflag:s15] =	ssyncset.done $0x0  }
0x49: {  	[sflag:s15] =	ssyncadd.s32 $0xFFFFE700  }
0x4a: {  	v8 =	vld [tilespmem:s23+$0x2470]  }
0x4b: {  	v10 =	vld [tilespmem:s23+$0x2400]  }
0x4c: {  	v11 =	vld [tilespmem:s23+$0x2410]  }
0x4d: {  	v18 =	vld [tilespmem:s23+$0x2420]  }
0x4e: {  	v19 =	vld [tilespmem:s23+$0x2430]  }
0x4f: {  	v16 =	vimm.f32 $0.0e+00;
	v9 =	vimm.f32 $0.0e+00;
	v15 =	vld [tilespmem:s23+$0x2440]  }
0x50: {  	v14 =	vimm.f32 $0.0e+00;
	v13 =	vimm.f32 $0.0e+00;
	v17 =	vld [tilespmem:s23+$0x2450];
	v8 =	vadd.f32 v8, v9  }
0x51: {  	s21 =	simm.s32 $0x80;
	s22 =	simm.s32 $0x400;
	v20 =	vld [tilespmem:s23+$0x2460];
	v12 =	vadd.f32 v10, v9;
	v10 =	vadd.f32 v11, v9;
	v11 =	vimm.f32 $0.0e+00  }
.LBB2_5:
0x52: {  	p1 =	sne.s32 s22, $0x6200;
	v21 =	vld [tilespmem:s21+$0x2470];
	v9 =	vadd.f32 v18, v9  }
0x53: {  	v22 =	vld [tilespmem:s21+$0x2400];
	v14 =	vadd.f32 v19, v14  }
0x54: {  	v23 =	vld [tilespmem:s21+$0x2410];
	v16 =	vadd.f32 v15, v16  }
.Ltmp1:
0x55: {  	v18 =	vld [tilespmem:s21+$0x2420];
	v13 =	vadd.f32 v17, v13;
	(pc) =	sbr.rel @p1 .LBB2_5-.Ltmp1, $4  }
0x56: {  	v19 =	vld [tilespmem:s21+$0x2430];
	v11 =	vadd.f32 v20, v11  }
0x57: {  	v15 =	vld [tilespmem:s21+$0x2440];
	v8 =	vadd.f32 v21, v8  }
0x58: {  	v12 =	vadd.f32 v22, v12;
	v17 =	vld [tilespmem:s21+$0x2450]  }
0x59: {  	v10 =	vadd.f32 v23, v10;
	v20 =	vld [tilespmem:s21+$0x2460];
	s21 =	sshra.s32 s22, $0x2;
	s22 =	sadd.s32 $0x200, s22  }
0x5a: {  	v21 =	vld [tilespmem:s21+$0x2400]  }
0x5b: {  	v22 =	vld [tilespmem:s21+$0x2410]  }
0x5c: {  	v23 =	vld [tilespmem:s21+$0x2420]  }
0x5d: {  	v24 =	vld [tilespmem:s21+$0x2430]  }
0x5e: {  	v9 =	vadd.f32 v18, v9;
	v55 =	vld [tilespmem:s21+$0x2440]  }
0x5f: {  	v56 =	vld [tilespmem:s21+$0x2450];
	v14 =	vadd.f32 v19, v14;
	v12 =	vadd.f32 v21, v12  }
0x60: {  	v58 =	vld [tilespmem:s21+$0x2470];
	v15 =	vadd.f32 v15, v16;
	v10 =	vadd.f32 v22, v10  }
0x61: {  	v57 =	vld [tilespmem:s21+$0x2460];
	v13 =	vadd.f32 v17, v13;
	v9 =	vadd.f32 v23, v9;
	v12 =	vmul.f32 $1.999999960e-02, v12  }
0x62: {  	v11 =	vadd.f32 v20, v11;
	v14 =	vadd.f32 v24, v14;
	v10 =	vmul.f32 $1.999999960e-02, v10  }
0x63: {  	s20 =	sadd.s32 @!p0 $0xC0, s20;
	s21 =	simm.s32 @!p0 $0x32;
	s22 =	simm.s32 @!p0 $0x2400;
	v15 =	vadd.f32 v55, v15;
	v9 =	vmul.f32 $1.999999960e-02, v9;
	v12 =	vadd.f32 v12, v0  }
0x64: {  	[tilespmem:s22], [sflag:$0x2] =	stream.indirect.gather @!p0 [hbm4b:s2+s21], $0x80, s20, s21, $0xb8;
	v13 =	vadd.f32 v56, v13;
	v14 =	vmul.f32 $1.999999960e-02, v14;
	v10 =	vadd.f32 v10, v1;
	[tilespmem:$0x5100] =	vst v63  }
0x65: {  	v8 =	vadd.f32 v58, v8;
	v59 =	vmul.f32 $1.999999960e-02, v15;
	v9 =	vadd.f32 v9, v2;
	[tilespmem:s19+$0x4180] =	vst v12  }
0x66: {  	s18 =	sadd.s32 $0x1, s18;
	v11 =	vadd.f32 v57, v11;
	v13 =	vmul.f32 $1.999999960e-02, v13;
	v60 =	vadd.f32 v14, v3;
	[tilespmem:s19+$0x4190] =	vst v10  }
0x67: {  	p0 =	sne.s32 s18, $0x10;
	v8 =	vmul.f32 $1.999999960e-02, v8;
	v61 =	vadd.f32 v59, v4;
	[tilespmem:s19+$0x41A0] =	vst v9  }
.Ltmp2:
0x68: {  	v11 =	vmul.f32 $1.999999960e-02, v11;
	v62 =	vadd.f32 v13, v5;
	[tilespmem:s19+$0x41B0] =	vst v60;
	(pc) =	sbr.rel @p0 .LBB2_2-.Ltmp2, $4  }
0x69: {  	v8 =	vadd.f32 v8, v7;
	[tilespmem:s19+$0x41C0] =	vst v61  }
0x6a: {  	v63 =	vadd.f32 v11, v6;
	[tilespmem:s19+$0x41D0] =	vst v62  }
0x6b: {  	[tilespmem:s19+$0x41F0] =	vst v8  }
0x6c: {  	[tilespmem:s19+$0x41E0] =	vst v63  }
0x6d: {  	s17 =	sadd.s32 $0x1, s17  }
0x6e: {  	p0 =	sne.s32 s17, s7  }
.Ltmp3:
0x6f: {  	_ = 	snop;
	(pc) =	sbr.rel @p0 .LBB2_1-.Ltmp3, $4  }
0x70: {  	[hbm4b:s6+s4] =	stream.linear.scatter [tilespmem:s16], [sflag:$0x3], $0x1000, $0x38;
	[tilespmem:$0x5100] =	vst v63  }
0x71: {  	_ =	swait.ge [sflag:s8], $0x1000  }
0x72: {  	[sflag:s8] =	ssyncset.done $0x0  }
0x73: {  	[sflag:s8] =	ssyncadd.s32 $0xFFFFF000  }
0x74: {  	_ =	sfence.sel $0x180000  }
0x75: {  	[bflag:$0x0] =	sbarrier.arrive $0xFFFF  }
0x76: {  	p0 =	sne.s32 s1, $0x0;
	_ =	strace $0x90000047  }
0x77: {  	s0 =	sadd.s32 @!p0 $0x100000, s0;
	[bflag:$0x2] =	sbarrier.arrive $0xFFFF  }
0x78: {  	[sflag:s0] =	ssyncadd.tile.s32 @!p0 $0x1;
	_ =	shalt  }
.Lfunc_end2:
_tile_overlayer_lowered:
.L_overlay_start_2:
0x79: {  	(tag) =	ssettag $0x2  }
0x7a: {  	s0 =	rddreg [dreg:$0x0];
	s2 =	stileid.u32  }
0x7b: {  	s1 =	rddreg [dreg:$0x1];
	p0 =	sne.s32 s2, $0x0  }
0x7c: {  	s3 =	rddreg [dreg:$0x2];
	[bflag:$0x3] =	sbarrier.arrive $0xFFFF;
	s2 =	simm.s32 @!p0 $0x1C03  }
0x7d: {  	[timem:s3], [sflag:s2] =	dma.local @!p0 [hbm:s0], s1  }
0x7e: {  	s0 =	simm.s32 @!p0 $0x3  }
0x7f: {  	_ =	swait.ge @!p0 [sflag:s0], s1  }
0x80: {  	s1 =	ssub.s32 @!p0 $0x0, s1;
	[sflag:s0] =	ssyncset.done @!p0 $0x0  }
0x81: {  	[sflag:s0] =	ssyncadd.s32 @!p0 s1  }
0x82: {  	[bflag:$0x3] =	sbarrier.arrive $0xFFFF  }
0x83: {  	_ =	shalt  }

</sc_bundles>
